<compile_context>
chip_gen: v7x
topology: tpu7x:2x2x1
jax: 0.10.2.dev20260603
libtpu: 0.0.44.dev20260713+nightly
codegen_flags: <defaults>
</compile_context>

<pallas_src>
import jax
import jax.numpy as jnp
from jax import lax
from jax.experimental import pallas as pl
from jax.experimental.pallas import tpu as pltpu
from jax.experimental.pallas import tpu_sc as plsc

NC = 2
NS = 16
NW = NC * NS
HEAD = 48


def _gather_kernel(table_hbm, idxh_hbm, idxt_hbm, out_hbm,
                   idxh_v, idxt_v, rows0, rows1, tail0, tail1,
                   g0, g1, w0, w1):
    wid = lax.axis_index("s") * NC + lax.axis_index("c")
    n_rows = idxh_hbm.shape[1]
    T = out_hbm.shape[1]
    base = wid * n_rows

    pltpu.sync_copy(idxh_hbm.at[wid], idxh_v)
    pltpu.sync_copy(idxt_hbm.at[wid], idxt_v)

    def gather_start(j, buf, tail, sem):
        pltpu.async_copy(table_hbm.at[idxh_v.at[j]], buf.at[pl.ds(0, HEAD)], sem)
        pltpu.async_copy(table_hbm.at[idxt_v.at[j]], tail, sem)

    def gather_wait(buf, tail, sem):
        pltpu.make_async_copy(table_hbm.at[idxh_v.at[0]], buf.at[pl.ds(0, HEAD)],
                              sem).wait()
        pltpu.make_async_copy(table_hbm.at[idxt_v.at[0]], tail, sem).wait()

    def fix_tail(buf, tail):
        buf[pl.ds(HEAD, T - HEAD)] = tail[pl.ds(0, T - HEAD)]

    def write_start(j, buf, sem):
        pltpu.async_copy(buf, out_hbm.at[base + j], sem)

    def write_wait(buf, sem):
        pltpu.make_async_copy(buf, out_hbm.at[base], sem).wait()

    assert n_rows % 2 == 0 and n_rows >= 4
    gather_start(0, rows0, tail0, g0)
    gather_start(1, rows1, tail1, g1)

    @pl.loop(0, n_rows - 2, step=2)
    def _(jj):
        gather_wait(rows0, tail0, g0)
        fix_tail(rows0, tail0)
        write_start(jj, rows0, w0)
        gather_wait(rows1, tail1, g1)
        fix_tail(rows1, tail1)
        write_start(jj + 1, rows1, w1)
        write_wait(rows0, w0)
        gather_start(jj + 2, rows0, tail0, g0)
        write_wait(rows1, w1)
        gather_start(jj + 3, rows1, tail1, g1)

    jj = n_rows - 2
    gather_wait(rows0, tail0, g0)
    fix_tail(rows0, tail0)
    write_start(jj, rows0, w0)
    gather_wait(rows1, tail1, g1)
    fix_tail(rows1, tail1)
    write_start(jj + 1, rows1, w1)
    write_wait(rows0, w0)
    write_wait(rows1, w1)


def kernel(input_ids, token_emb):
    B, T = input_ids.shape
    V, D = token_emb.shape
    assert B % NW == 0 and HEAD < T <= HEAD + 8
    n_rows = B // NW

    idx = input_ids.astype(jnp.int32)
    idx_head = idx[:, :HEAD].reshape(NW, n_rows, HEAD)
    idx_tail = jnp.concatenate([idx[:, HEAD:], idx[:, : HEAD + 8 - T]],
                               axis=1).reshape(NW, n_rows, 8)

    mesh = plsc.VectorSubcoreMesh(core_axis_name="c", subcore_axis_name="s")
    k = pl.kernel(
        _gather_kernel,
        out_type=jax.ShapeDtypeStruct((B, T, D), jnp.float32),
        mesh=mesh,
        scratch_types=[
            pltpu.VMEM((n_rows, HEAD), jnp.int32),
            pltpu.VMEM((n_rows, 8), jnp.int32),
            pltpu.VMEM((T, D), jnp.float32),
            pltpu.VMEM((T, D), jnp.float32),
            pltpu.VMEM((8, D), jnp.float32),
            pltpu.VMEM((8, D), jnp.float32),
            pltpu.SemaphoreType.DMA,
            pltpu.SemaphoreType.DMA,
            pltpu.SemaphoreType.DMA,
            pltpu.SemaphoreType.DMA,
        ],
    )
    return k(token_emb, idx_head, idx_tail)

# --- scband reference (transcript-rebuilt; emitter-appended) ---
"""Pipeline reference for scband-tokenizer-hugging-face-28509992911430 (READ-ONLY COPY).

The authoritative reference and input builder live on the scoring server;
editing this copy changes nothing except your own understanding.
"""

import jax, jax.numpy as jnp
import numpy as np

VOCAB_SIZE = 30522  # bert-base-uncased vocab_size
HIDDEN_SIZE = 768   # bert-base-uncased hidden_size

def setup_inputs(seed: int = 0) -> dict:
    key = jax.random.key(seed)
    k_idx, k_tab = jax.random.split(key)
    input_ids = jax.random.randint(k_idx, (1024, 50), 0, VOCAB_SIZE, dtype=jnp.int64 if jax.config.jax_enable_x64 else jnp.int32)
    # nn.Embedding default init: N(0, 1)
    token_emb = jax.random.normal(k_tab, (VOCAB_SIZE, HIDDEN_SIZE), dtype=jnp.float32)
    return {"input_ids": input_ids, "token_emb": token_emb}

def reference(input_ids, token_emb):
    # Faithful translation of: text_emb = nn.Embedding(vocab, hidden)(input_ids)
    # Embedding lookup == row gather from the table.
    text_emb = jnp.take(token_emb, input_ids, axis=0)
    return text_emb

if __name__ == "__main__":
    import jax
    _d = setup_inputs()
    print(jax.jit(kernel)(*tuple(_d.values())))

</pallas_src>

<mosaic_0001>
#map = affine_map<(d0, d1) -> (0, 0)>
#map1 = affine_map<(d0, d1) -> (0, 0, 0)>
module attributes {stable_mosaic.version = 14 : i64} {
  func.func @_gather_kernel(%arg0: i32, %arg1: i32, %arg2: memref<30522x768xf32, #tpu.memory_space<hbm>>, %arg3: memref<32x32x48xi32, #tpu.memory_space<hbm>>, %arg4: memref<32x32x8xi32, #tpu.memory_space<hbm>>, %arg5: memref<1024x50x768xf32, #tpu.memory_space<hbm>>, %arg6: memref<32x48xi32, #tpu.memory_space<vmem>>, %arg7: memref<32x8xi32, #tpu.memory_space<vmem>>, %arg8: memref<50x768xf32, #tpu.memory_space<vmem>>, %arg9: memref<50x768xf32, #tpu.memory_space<vmem>>, %arg10: memref<8x768xf32, #tpu.memory_space<vmem>>, %arg11: memref<8x768xf32, #tpu.memory_space<vmem>>, %arg12: memref<!tpu.dma_semaphore, #tpu.memory_space<semaphore_mem>>, %arg13: memref<!tpu.dma_semaphore, #tpu.memory_space<semaphore_mem>>, %arg14: memref<!tpu.dma_semaphore, #tpu.memory_space<semaphore_mem>>, %arg15: memref<!tpu.dma_semaphore, #tpu.memory_space<semaphore_mem>>) attributes {dimension_semantics = [#tpu.dimension_semantics<core_parallel>, #tpu.dimension_semantics<subcore_parallel>], iteration_bounds = array<i64: 2, 16>, scalar_prefetch = 0 : i64, scratch_operands = 10 : i64, tpu.core_type = #tpu.core_type<sc_vector_subcore>, window_params = [{transform_indices = #map}, {transform_indices = #map1}, {transform_indices = #map1}, {transform_indices = #map1}]} {
    %mul3A = arith.constant 2 : i32
    %mul3A_0 = arith.muli %arg1, %mul3A : i32
    %add3A = arith.addi %mul3A_0, %arg0 : i32
    %mul3A_1 = arith.constant 32 : i32
    %mul3A_2 = arith.muli %add3A, %mul3A_1 : i32
    "tpu.region"() ({
      %run_scoped3A = tpu.sem_alloc : memref<!tpu.dma_semaphore, #tpu.memory_space<semaphore_mem>>
      %dma_start3A_125 = arith.constant 0 : i32
      %dma_start3A_126 = arith.constant 0 : i32
      %dma_start3A_127 = tpu.memref_slice %arg3[%add3A, %dma_start3A_125, %dma_start3A_126] : memref<32x32x48xi32, #tpu.memory_space<hbm>> -> memref<1x32x48xi32, #tpu.memory_space<hbm>>
      %dma_start3A_128 = tpu.memref_squeeze %dma_start3A_127 : memref<1x32x48xi32, #tpu.memory_space<hbm>> -> memref<32x48xi32, #tpu.memory_space<hbm>>
      %dma_start3A_129 = arith.constant 0 : i32
      %dma_start3A_130 = arith.constant 0 : i32
      %dma_start3A_131 = tpu.memref_slice %arg3[%add3A, %dma_start3A_129, %dma_start3A_130] : memref<32x32x48xi32, #tpu.memory_space<hbm>> -> memref<1x32x48xi32, #tpu.memory_space<hbm>>
      %dma_start3A_132 = tpu.memref_squeeze %dma_start3A_131 : memref<1x32x48xi32, #tpu.memory_space<hbm>> -> memref<32x48xi32, #tpu.memory_space<hbm>>
      tpu.enqueue_dma source(%dma_start3A_132 : memref<32x48xi32, #tpu.memory_space<hbm>>) target(%arg6 : memref<32x48xi32, #tpu.memory_space<vmem>>) target_semaphore(%run_scoped3A : memref<!tpu.dma_semaphore, #tpu.memory_space<semaphore_mem>>)
      %dma_wait3A_133 = arith.constant 0 : i32
      %dma_wait3A_134 = arith.constant 0 : i32
      %dma_wait3A_135 = tpu.memref_slice %arg3[%add3A, %dma_wait3A_133, %dma_wait3A_134] : memref<32x32x48xi32, #tpu.memory_space<hbm>> -> memref<1x32x48xi32, #tpu.memory_space<hbm>>
      %dma_wait3A_136 = tpu.memref_squeeze %dma_wait3A_135 : memref<1x32x48xi32, #tpu.memory_space<hbm>> -> memref<32x48xi32, #tpu.memory_space<hbm>>
      %dma_wait3A_137 = arith.constant 0 : i32
      %dma_wait3A_138 = arith.constant 0 : i32
      %dma_wait3A_139 = tpu.memref_slice %arg3[%add3A, %dma_wait3A_137, %dma_wait3A_138] : memref<32x32x48xi32, #tpu.memory_space<hbm>> -> memref<1x32x48xi32, #tpu.memory_space<hbm>>
      %dma_wait3A_140 = tpu.memref_squeeze %dma_wait3A_139 : memref<1x32x48xi32, #tpu.memory_space<hbm>> -> memref<32x48xi32, #tpu.memory_space<hbm>>
      tpu.wait_dma2 semaphore(%run_scoped3A : memref<!tpu.dma_semaphore, #tpu.memory_space<semaphore_mem>>) src(%dma_wait3A_140 : memref<32x48xi32, #tpu.memory_space<hbm>>) dst(%arg6 : memref<32x48xi32, #tpu.memory_space<vmem>>)
      tpu.yield
    }) : () -> ()
    "tpu.region"() ({
      %run_scoped3A = tpu.sem_alloc : memref<!tpu.dma_semaphore, #tpu.memory_space<semaphore_mem>>
      %dma_start3A_125 = arith.constant 0 : i32
      %dma_start3A_126 = arith.constant 0 : i32
      %dma_start3A_127 = tpu.memref_slice %arg4[%add3A, %dma_start3A_125, %dma_start3A_126] : memref<32x32x8xi32, #tpu.memory_space<hbm>> -> memref<1x32x8xi32, #tpu.memory_space<hbm>>
      %dma_start3A_128 = tpu.memref_squeeze %dma_start3A_127 : memref<1x32x8xi32, #tpu.memory_space<hbm>> -> memref<32x8xi32, #tpu.memory_space<hbm>>
      %dma_start3A_129 = arith.constant 0 : i32
      %dma_start3A_130 = arith.constant 0 : i32
      %dma_start3A_131 = tpu.memref_slice %arg4[%add3A, %dma_start3A_129, %dma_start3A_130] : memref<32x32x8xi32, #tpu.memory_space<hbm>> -> memref<1x32x8xi32, #tpu.memory_space<hbm>>
      %dma_start3A_132 = tpu.memref_squeeze %dma_start3A_131 : memref<1x32x8xi32, #tpu.memory_space<hbm>> -> memref<32x8xi32, #tpu.memory_space<hbm>>
      tpu.enqueue_dma source(%dma_start3A_132 : memref<32x8xi32, #tpu.memory_space<hbm>>) target(%arg7 : memref<32x8xi32, #tpu.memory_space<vmem>>) target_semaphore(%run_scoped3A : memref<!tpu.dma_semaphore, #tpu.memory_space<semaphore_mem>>)
      %dma_wait3A_133 = arith.constant 0 : i32
      %dma_wait3A_134 = arith.constant 0 : i32
      %dma_wait3A_135 = tpu.memref_slice %arg4[%add3A, %dma_wait3A_133, %dma_wait3A_134] : memref<32x32x8xi32, #tpu.memory_space<hbm>> -> memref<1x32x8xi32, #tpu.memory_space<hbm>>
      %dma_wait3A_136 = tpu.memref_squeeze %dma_wait3A_135 : memref<1x32x8xi32, #tpu.memory_space<hbm>> -> memref<32x8xi32, #tpu.memory_space<hbm>>
      %dma_wait3A_137 = arith.constant 0 : i32
      %dma_wait3A_138 = arith.constant 0 : i32
      %dma_wait3A_139 = tpu.memref_slice %arg4[%add3A, %dma_wait3A_137, %dma_wait3A_138] : memref<32x32x8xi32, #tpu.memory_space<hbm>> -> memref<1x32x8xi32, #tpu.memory_space<hbm>>
      %dma_wait3A_140 = tpu.memref_squeeze %dma_wait3A_139 : memref<1x32x8xi32, #tpu.memory_space<hbm>> -> memref<32x8xi32, #tpu.memory_space<hbm>>
      tpu.wait_dma2 semaphore(%run_scoped3A : memref<!tpu.dma_semaphore, #tpu.memory_space<semaphore_mem>>) src(%dma_wait3A_140 : memref<32x8xi32, #tpu.memory_space<hbm>>) dst(%arg7 : memref<32x8xi32, #tpu.memory_space<vmem>>)
      tpu.yield
    }) : () -> ()
    %dma_start3A = arith.constant 0 : i32
    %dma_start3A_3 = arith.constant 0 : i32
    %dma_start3A_4 = arith.constant 0 : i32
    %dma_start3A_5 = tpu.memref_slice %arg8[%dma_start3A_3, %dma_start3A_4] : memref<50x768xf32, #tpu.memory_space<vmem>> -> memref<48x768xf32, #tpu.memory_space<vmem>>
    %dma_start3A_6 = arith.constant 0 : i32
    %dma_start3A_7 = tpu.memref_slice %arg6[%dma_start3A, %dma_start3A_6] : memref<32x48xi32, #tpu.memory_space<vmem>> -> memref<1x48xi32, #tpu.memory_space<vmem>>
    %dma_start3A_8 = tpu.memref_squeeze %dma_start3A_7 : memref<1x48xi32, #tpu.memory_space<vmem>> -> memref<48xi32, #tpu.memory_space<vmem>>
    %dma_start3A_9 = arith.constant 0 : i32
    %dma_start3A_10 = arith.constant 0 : i32
    %dma_start3A_11 = tpu.memref_slice %arg2[%dma_start3A_9, %dma_start3A_10] : memref<30522x768xf32, #tpu.memory_space<hbm>> -> memref<30522x768xf32, #tpu.memory_space<hbm>>
    tpu.enqueue_indirect_dma source(%dma_start3A_11 : memref<30522x768xf32, #tpu.memory_space<hbm>>) target(%dma_start3A_5 : memref<48x768xf32, #tpu.memory_space<vmem>>) offsets(%dma_start3A_8 : memref<48xi32, #tpu.memory_space<vmem>>) semaphore(%arg12 : memref<!tpu.dma_semaphore, #tpu.memory_space<semaphore_mem>>)
    %dma_start3A_12 = arith.constant 0 : i32
    %dma_start3A_13 = arith.constant 0 : i32
    %dma_start3A_14 = tpu.memref_slice %arg7[%dma_start3A_12, %dma_start3A_13] : memref<32x8xi32, #tpu.memory_space<vmem>> -> memref<1x8xi32, #tpu.memory_space<vmem>>
    %dma_start3A_15 = tpu.memref_squeeze %dma_start3A_14 : memref<1x8xi32, #tpu.memory_space<vmem>> -> memref<8xi32, #tpu.memory_space<vmem>>
    %dma_start3A_16 = arith.constant 0 : i32
    %dma_start3A_17 = arith.constant 0 : i32
    %dma_start3A_18 = tpu.memref_slice %arg2[%dma_start3A_16, %dma_start3A_17] : memref<30522x768xf32, #tpu.memory_space<hbm>> -> memref<30522x768xf32, #tpu.memory_space<hbm>>
    tpu.enqueue_indirect_dma source(%dma_start3A_18 : memref<30522x768xf32, #tpu.memory_space<hbm>>) target(%arg10 : memref<8x768xf32, #tpu.memory_space<vmem>>) offsets(%dma_start3A_15 : memref<8xi32, #tpu.memory_space<vmem>>) semaphore(%arg12 : memref<!tpu.dma_semaphore, #tpu.memory_space<semaphore_mem>>)
    %dma_start3A_19 = arith.constant 1 : i32
    %dma_start3A_20 = arith.constant 0 : i32
    %dma_start3A_21 = arith.constant 0 : i32
    %dma_start3A_22 = tpu.memref_slice %arg9[%dma_start3A_20, %dma_start3A_21] : memref<50x768xf32, #tpu.memory_space<vmem>> -> memref<48x768xf32, #tpu.memory_space<vmem>>
    %dma_start3A_23 = arith.constant 0 : i32
    %dma_start3A_24 = tpu.memref_slice %arg6[%dma_start3A_19, %dma_start3A_23] : memref<32x48xi32, #tpu.memory_space<vmem>> -> memref<1x48xi32, #tpu.memory_space<vmem>>
    %dma_start3A_25 = tpu.memref_squeeze %dma_start3A_24 : memref<1x48xi32, #tpu.memory_space<vmem>> -> memref<48xi32, #tpu.memory_space<vmem>>
    %dma_start3A_26 = arith.constant 0 : i32
    %dma_start3A_27 = arith.constant 0 : i32
    %dma_start3A_28 = tpu.memref_slice %arg2[%dma_start3A_26, %dma_start3A_27] : memref<30522x768xf32, #tpu.memory_space<hbm>> -> memref<30522x768xf32, #tpu.memory_space<hbm>>
    tpu.enqueue_indirect_dma source(%dma_start3A_28 : memref<30522x768xf32, #tpu.memory_space<hbm>>) target(%dma_start3A_22 : memref<48x768xf32, #tpu.memory_space<vmem>>) offsets(%dma_start3A_25 : memref<48xi32, #tpu.memory_space<vmem>>) semaphore(%arg13 : memref<!tpu.dma_semaphore, #tpu.memory_space<semaphore_mem>>)
    %dma_start3A_29 = arith.constant 1 : i32
    %dma_start3A_30 = arith.constant 0 : i32
    %dma_start3A_31 = tpu.memref_slice %arg7[%dma_start3A_29, %dma_start3A_30] : memref<32x8xi32, #tpu.memory_space<vmem>> -> memref<1x8xi32, #tpu.memory_space<vmem>>
    %dma_start3A_32 = tpu.memref_squeeze %dma_start3A_31 : memref<1x8xi32, #tpu.memory_space<vmem>> -> memref<8xi32, #tpu.memory_space<vmem>>
    %dma_start3A_33 = arith.constant 0 : i32
    %dma_start3A_34 = arith.constant 0 : i32
    %dma_start3A_35 = tpu.memref_slice %arg2[%dma_start3A_33, %dma_start3A_34] : memref<30522x768xf32, #tpu.memory_space<hbm>> -> memref<30522x768xf32, #tpu.memory_space<hbm>>
    tpu.enqueue_indirect_dma source(%dma_start3A_35 : memref<30522x768xf32, #tpu.memory_space<hbm>>) target(%arg11 : memref<8x768xf32, #tpu.memory_space<vmem>>) offsets(%dma_start3A_32 : memref<8xi32, #tpu.memory_space<vmem>>) semaphore(%arg13 : memref<!tpu.dma_semaphore, #tpu.memory_space<semaphore_mem>>)
    %scan3A = arith.constant 0 : i32
    %scan3A_36 = arith.constant 15 : i32
    %scan3A_37 = arith.addi %scan3A, %scan3A_36 : i32
    %scan3A_38 = arith.constant 1 : i32
    scf.for %scan3A_125 = %scan3A to %scan3A_37 step %scan3A_38  : i32 {
      %mul3A_126 = arith.constant 2 : i32
      %mul3A_127 = arith.muli %scan3A_125, %mul3A_126 : i32
      %add3A_128 = arith.constant 0 : i32
      %add3A_129 = arith.addi %add3A_128, %mul3A_127 : i32
      %dma_wait3A_130 = arith.constant 0 : i32
      %dma_wait3A_131 = arith.constant 0 : i32
      %dma_wait3A_132 = arith.constant 0 : i32
      %dma_wait3A_133 = tpu.memref_slice %arg8[%dma_wait3A_131, %dma_wait3A_132] : memref<50x768xf32, #tpu.memory_space<vmem>> -> memref<48x768xf32, #tpu.memory_space<vmem>>
      %dma_wait3A_134 = arith.constant 0 : i32
      %dma_wait3A_135 = tpu.memref_slice %arg6[%dma_wait3A_130, %dma_wait3A_134] : memref<32x48xi32, #tpu.memory_space<vmem>> -> memref<1x48xi32, #tpu.memory_space<vmem>>
      %dma_wait3A_136 = tpu.memref_squeeze %dma_wait3A_135 : memref<1x48xi32, #tpu.memory_space<vmem>> -> memref<48xi32, #tpu.memory_space<vmem>>
      %dma_wait3A_137 = arith.constant 0 : i32
      %dma_wait3A_138 = arith.constant 0 : i32
      %dma_wait3A_139 = tpu.memref_slice %arg2[%dma_wait3A_137, %dma_wait3A_138] : memref<30522x768xf32, #tpu.memory_space<hbm>> -> memref<30522x768xf32, #tpu.memory_space<hbm>>
      tpu.wait_indirect_dma semaphore(%arg12 : memref<!tpu.dma_semaphore, #tpu.memory_space<semaphore_mem>>) src(%dma_wait3A_139 : memref<30522x768xf32, #tpu.memory_space<hbm>>) dst(%dma_wait3A_133 : memref<48x768xf32, #tpu.memory_space<vmem>>)
      %dma_wait3A_140 = arith.constant 0 : i32
      %dma_wait3A_141 = arith.constant 0 : i32
      %dma_wait3A_142 = tpu.memref_slice %arg7[%dma_wait3A_140, %dma_wait3A_141] : memref<32x8xi32, #tpu.memory_space<vmem>> -> memref<1x8xi32, #tpu.memory_space<vmem>>
      %dma_wait3A_143 = tpu.memref_squeeze %dma_wait3A_142 : memref<1x8xi32, #tpu.memory_space<vmem>> -> memref<8xi32, #tpu.memory_space<vmem>>
      %dma_wait3A_144 = arith.constant 0 : i32
      %dma_wait3A_145 = arith.constant 0 : i32
      %dma_wait3A_146 = tpu.memref_slice %arg2[%dma_wait3A_144, %dma_wait3A_145] : memref<30522x768xf32, #tpu.memory_space<hbm>> -> memref<30522x768xf32, #tpu.memory_space<hbm>>
      tpu.wait_indirect_dma semaphore(%arg12 : memref<!tpu.dma_semaphore, #tpu.memory_space<semaphore_mem>>) src(%dma_wait3A_146 : memref<30522x768xf32, #tpu.memory_space<hbm>>) dst(%arg10 : memref<8x768xf32, #tpu.memory_space<vmem>>)
      %get3A_147 = arith.constant 0 : index
      %get3A_148 = arith.constant 0 : index
      %get3A_149 = tpu.vector_load %arg10[%get3A_147, %get3A_148] {strides = array<i32>} : memref<8x768xf32, #tpu.memory_space<vmem>>, vector<2x768xf32>,
      %get3A_150 = vector.shape_cast %get3A_149 : vector<2x768xf32> to vector<2x768xf32>
      %swap3A_151 = arith.constant 48 : index
      %swap3A_152 = arith.constant 0 : index
      %swap3A_153 = tpu.vector_load %arg8[%swap3A_151, %swap3A_152] {strides = array<i32>} : memref<50x768xf32, #tpu.memory_space<vmem>>, vector<2x768xf32>,
      %swap3A_154 = vector.shape_cast %swap3A_153 : vector<2x768xf32> to vector<2x768xf32>
      %swap3A_155 = vector.shape_cast %get3A_150 : vector<2x768xf32> to vector<2x768xf32>
      tpu.vector_store %arg8[%swap3A_151, %swap3A_152], %swap3A_155 {strides = array<i32>} : memref<50x768xf32, #tpu.memory_space<vmem>>, vector<2x768xf32>,
      %add3A_156 = arith.addi %mul3A_2, %add3A_129 : i32
      %dma_start3A_157 = arith.constant 0 : i32
      %dma_start3A_158 = arith.constant 0 : i32
      %dma_start3A_159 = tpu.memref_slice %arg5[%add3A_156, %dma_start3A_157, %dma_start3A_158] : memref<1024x50x768xf32, #tpu.memory_space<hbm>> -> memref<1x50x768xf32, #tpu.memory_space<hbm>>
      %dma_start3A_160 = tpu.memref_squeeze %dma_start3A_159 : memref<1x50x768xf32, #tpu.memory_space<hbm>> -> memref<50x768xf32, #tpu.memory_space<hbm>>
      %dma_start3A_161 = arith.constant 0 : i32
      %dma_start3A_162 = arith.constant 0 : i32
      %dma_start3A_163 = tpu.memref_slice %arg5[%add3A_156, %dma_start3A_161, %dma_start3A_162] : memref<1024x50x768xf32, #tpu.memory_space<hbm>> -> memref<1x50x768xf32, #tpu.memory_space<hbm>>
      %dma_start3A_164 = tpu.memref_squeeze %dma_start3A_163 : memref<1x50x768xf32, #tpu.memory_space<hbm>> -> memref<50x768xf32, #tpu.memory_space<hbm>>
      tpu.enqueue_dma source(%arg8 : memref<50x768xf32, #tpu.memory_space<vmem>>) target(%dma_start3A_164 : memref<50x768xf32, #tpu.memory_space<hbm>>) target_semaphore(%arg14 : memref<!tpu.dma_semaphore, #tpu.memory_space<semaphore_mem>>)
      %dma_wait3A_165 = arith.constant 0 : i32
      %dma_wait3A_166 = arith.constant 0 : i32
      %dma_wait3A_167 = arith.constant 0 : i32
      %dma_wait3A_168 = tpu.memref_slice %arg9[%dma_wait3A_166, %dma_wait3A_167] : memref<50x768xf32, #tpu.memory_space<vmem>> -> memref<48x768xf32, #tpu.memory_space<vmem>>
      %dma_wait3A_169 = arith.constant 0 : i32
      %dma_wait3A_170 = tpu.memref_slice %arg6[%dma_wait3A_165, %dma_wait3A_169] : memref<32x48xi32, #tpu.memory_space<vmem>> -> memref<1x48xi32, #tpu.memory_space<vmem>>
      %dma_wait3A_171 = tpu.memref_squeeze %dma_wait3A_170 : memref<1x48xi32, #tpu.memory_space<vmem>> -> memref<48xi32, #tpu.memory_space<vmem>>
      %dma_wait3A_172 = arith.constant 0 : i32
      %dma_wait3A_173 = arith.constant 0 : i32
      %dma_wait3A_174 = tpu.memref_slice %arg2[%dma_wait3A_172, %dma_wait3A_173] : memref<30522x768xf32, #tpu.memory_space<hbm>> -> memref<30522x768xf32, #tpu.memory_space<hbm>>
      tpu.wait_indirect_dma semaphore(%arg13 : memref<!tpu.dma_semaphore, #tpu.memory_space<semaphore_mem>>) src(%dma_wait3A_174 : memref<30522x768xf32, #tpu.memory_space<hbm>>) dst(%dma_wait3A_168 : memref<48x768xf32, #tpu.memory_space<vmem>>)
      %dma_wait3A_175 = arith.constant 0 : i32
      %dma_wait3A_176 = arith.constant 0 : i32
      %dma_wait3A_177 = tpu.memref_slice %arg7[%dma_wait3A_175, %dma_wait3A_176] : memref<32x8xi32, #tpu.memory_space<vmem>> -> memref<1x8xi32, #tpu.memory_space<vmem>>
      %dma_wait3A_178 = tpu.memref_squeeze %dma_wait3A_177 : memref<1x8xi32, #tpu.memory_space<vmem>> -> memref<8xi32, #tpu.memory_space<vmem>>
      %dma_wait3A_179 = arith.constant 0 : i32
      %dma_wait3A_180 = arith.constant 0 : i32
      %dma_wait3A_181 = tpu.memref_slice %arg2[%dma_wait3A_179, %dma_wait3A_180] : memref<30522x768xf32, #tpu.memory_space<hbm>> -> memref<30522x768xf32, #tpu.memory_space<hbm>>
      tpu.wait_indirect_dma semaphore(%arg13 : memref<!tpu.dma_semaphore, #tpu.memory_space<semaphore_mem>>) src(%dma_wait3A_181 : memref<30522x768xf32, #tpu.memory_space<hbm>>) dst(%arg11 : memref<8x768xf32, #tpu.memory_space<vmem>>)
      %get3A_182 = arith.constant 0 : index
      %get3A_183 = arith.constant 0 : index
      %get3A_184 = tpu.vector_load %arg11[%get3A_182, %get3A_183] {strides = array<i32>} : memref<8x768xf32, #tpu.memory_space<vmem>>, vector<2x768xf32>,
      %get3A_185 = vector.shape_cast %get3A_184 : vector<2x768xf32> to vector<2x768xf32>
      %swap3A_186 = arith.constant 48 : index
      %swap3A_187 = arith.constant 0 : index
      %swap3A_188 = tpu.vector_load %arg9[%swap3A_186, %swap3A_187] {strides = array<i32>} : memref<50x768xf32, #tpu.memory_space<vmem>>, vector<2x768xf32>,
      %swap3A_189 = vector.shape_cast %swap3A_188 : vector<2x768xf32> to vector<2x768xf32>
      %swap3A_190 = vector.shape_cast %get3A_185 : vector<2x768xf32> to vector<2x768xf32>
      tpu.vector_store %arg9[%swap3A_186, %swap3A_187], %swap3A_190 {strides = array<i32>} : memref<50x768xf32, #tpu.memory_space<vmem>>, vector<2x768xf32>,
      %add3A_191 = arith.constant 1 : i32
      %add3A_192 = arith.addi %add3A_129, %add3A_191 : i32
      %add3A_193 = arith.addi %mul3A_2, %add3A_192 : i32
      %dma_start3A_194 = arith.constant 0 : i32
      %dma_start3A_195 = arith.constant 0 : i32
      %dma_start3A_196 = tpu.memref_slice %arg5[%add3A_193, %dma_start3A_194, %dma_start3A_195] : memref<1024x50x768xf32, #tpu.memory_space<hbm>> -> memref<1x50x768xf32, #tpu.memory_space<hbm>>
      %dma_start3A_197 = tpu.memref_squeeze %dma_start3A_196 : memref<1x50x768xf32, #tpu.memory_space<hbm>> -> memref<50x768xf32, #tpu.memory_space<hbm>>
      %dma_start3A_198 = arith.constant 0 : i32
      %dma_start3A_199 = arith.constant 0 : i32
      %dma_start3A_200 = tpu.memref_slice %arg5[%add3A_193, %dma_start3A_198, %dma_start3A_199] : memref<1024x50x768xf32, #tpu.memory_space<hbm>> -> memref<1x50x768xf32, #tpu.memory_space<hbm>>
      %dma_start3A_201 = tpu.memref_squeeze %dma_start3A_200 : memref<1x50x768xf32, #tpu.memory_space<hbm>> -> memref<50x768xf32, #tpu.memory_space<hbm>>
      tpu.enqueue_dma source(%arg9 : memref<50x768xf32, #tpu.memory_space<vmem>>) target(%dma_start3A_201 : memref<50x768xf32, #tpu.memory_space<hbm>>) target_semaphore(%arg15 : memref<!tpu.dma_semaphore, #tpu.memory_space<semaphore_mem>>)
      %dma_wait3A_202 = arith.constant 0 : i32
      %dma_wait3A_203 = arith.constant 0 : i32
      %dma_wait3A_204 = tpu.memref_slice %arg5[%mul3A_2, %dma_wait3A_202, %dma_wait3A_203] : memref<1024x50x768xf32, #tpu.memory_space<hbm>> -> memref<1x50x768xf32, #tpu.memory_space<hbm>>
      %dma_wait3A_205 = tpu.memref_squeeze %dma_wait3A_204 : memref<1x50x768xf32, #tpu.memory_space<hbm>> -> memref<50x768xf32, #tpu.memory_space<hbm>>
      %dma_wait3A_206 = arith.constant 0 : i32
      %dma_wait3A_207 = arith.constant 0 : i32
      %dma_wait3A_208 = tpu.memref_slice %arg5[%mul3A_2, %dma_wait3A_206, %dma_wait3A_207] : memref<1024x50x768xf32, #tpu.memory_space<hbm>> -> memref<1x50x768xf32, #tpu.memory_space<hbm>>
      %dma_wait3A_209 = tpu.memref_squeeze %dma_wait3A_208 : memref<1x50x768xf32, #tpu.memory_space<hbm>> -> memref<50x768xf32, #tpu.memory_space<hbm>>
      tpu.wait_dma2 semaphore(%arg14 : memref<!tpu.dma_semaphore, #tpu.memory_space<semaphore_mem>>) src(%arg8 : memref<50x768xf32, #tpu.memory_space<vmem>>) dst(%dma_wait3A_209 : memref<50x768xf32, #tpu.memory_space<hbm>>)
      %add3A_210 = arith.constant 2 : i32
      %add3A_211 = arith.addi %add3A_129, %add3A_210 : i32
      %dma_start3A_212 = arith.constant 0 : i32
      %dma_start3A_213 = arith.constant 0 : i32
      %dma_start3A_214 = tpu.memref_slice %arg8[%dma_start3A_212, %dma_start3A_213] : memref<50x768xf32, #tpu.memory_space<vmem>> -> memref<48x768xf32, #tpu.memory_space<vmem>>
      %dma_start3A_215 = arith.constant 0 : i32
      %dma_start3A_216 = tpu.memref_slice %arg6[%add3A_211, %dma_start3A_215] : memref<32x48xi32, #tpu.memory_space<vmem>> -> memref<1x48xi32, #tpu.memory_space<vmem>>
      %dma_start3A_217 = tpu.memref_squeeze %dma_start3A_216 : memref<1x48xi32, #tpu.memory_space<vmem>> -> memref<48xi32, #tpu.memory_space<vmem>>
      %dma_start3A_218 = arith.constant 0 : i32
      %dma_start3A_219 = arith.constant 0 : i32
      %dma_start3A_220 = tpu.memref_slice %arg2[%dma_start3A_218, %dma_start3A_219] : memref<30522x768xf32, #tpu.memory_space<hbm>> -> memref<30522x768xf32, #tpu.memory_space<hbm>>
      tpu.enqueue_indirect_dma source(%dma_start3A_220 : memref<30522x768xf32, #tpu.memory_space<hbm>>) target(%dma_start3A_214 : memref<48x768xf32, #tpu.memory_space<vmem>>) offsets(%dma_start3A_217 : memref<48xi32, #tpu.memory_space<vmem>>) semaphore(%arg12 : memref<!tpu.dma_semaphore, #tpu.memory_space<semaphore_mem>>)
      %dma_start3A_221 = arith.constant 0 : i32
      %dma_start3A_222 = tpu.memref_slice %arg7[%add3A_211, %dma_start3A_221] : memref<32x8xi32, #tpu.memory_space<vmem>> -> memref<1x8xi32, #tpu.memory_space<vmem>>
      %dma_start3A_223 = tpu.memref_squeeze %dma_start3A_222 : memref<1x8xi32, #tpu.memory_space<vmem>> -> memref<8xi32, #tpu.memory_space<vmem>>
      %dma_start3A_224 = arith.constant 0 : i32
      %dma_start3A_225 = arith.constant 0 : i32
      %dma_start3A_226 = tpu.memref_slice %arg2[%dma_start3A_224, %dma_start3A_225] : memref<30522x768xf32, #tpu.memory_space<hbm>> -> memref<30522x768xf32, #tpu.memory_space<hbm>>
      tpu.enqueue_indirect_dma source(%dma_start3A_226 : memref<30522x768xf32, #tpu.memory_space<hbm>>) target(%arg10 : memref<8x768xf32, #tpu.memory_space<vmem>>) offsets(%dma_start3A_223 : memref<8xi32, #tpu.memory_space<vmem>>) semaphore(%arg12 : memref<!tpu.dma_semaphore, #tpu.memory_space<semaphore_mem>>)
      %dma_wait3A_227 = arith.constant 0 : i32
      %dma_wait3A_228 = arith.constant 0 : i32
      %dma_wait3A_229 = tpu.memref_slice %arg5[%mul3A_2, %dma_wait3A_227, %dma_wait3A_228] : memref<1024x50x768xf32, #tpu.memory_space<hbm>> -> memref<1x50x768xf32, #tpu.memory_space<hbm>>
      %dma_wait3A_230 = tpu.memref_squeeze %dma_wait3A_229 : memref<1x50x768xf32, #tpu.memory_space<hbm>> -> memref<50x768xf32, #tpu.memory_space<hbm>>
      %dma_wait3A_231 = arith.constant 0 : i32
      %dma_wait3A_232 = arith.constant 0 : i32
      %dma_wait3A_233 = tpu.memref_slice %arg5[%mul3A_2, %dma_wait3A_231, %dma_wait3A_232] : memref<1024x50x768xf32, #tpu.memory_space<hbm>> -> memref<1x50x768xf32, #tpu.memory_space<hbm>>
      %dma_wait3A_234 = tpu.memref_squeeze %dma_wait3A_233 : memref<1x50x768xf32, #tpu.memory_space<hbm>> -> memref<50x768xf32, #tpu.memory_space<hbm>>
      tpu.wait_dma2 semaphore(%arg15 : memref<!tpu.dma_semaphore, #tpu.memory_space<semaphore_mem>>) src(%arg9 : memref<50x768xf32, #tpu.memory_space<vmem>>) dst(%dma_wait3A_234 : memref<50x768xf32, #tpu.memory_space<hbm>>)
      %add3A_235 = arith.constant 3 : i32
      %add3A_236 = arith.addi %add3A_129, %add3A_235 : i32
      %dma_start3A_237 = arith.constant 0 : i32
      %dma_start3A_238 = arith.constant 0 : i32
      %dma_start3A_239 = tpu.memref_slice %arg9[%dma_start3A_237, %dma_start3A_238] : memref<50x768xf32, #tpu.memory_space<vmem>> -> memref<48x768xf32, #tpu.memory_space<vmem>>
      %dma_start3A_240 = arith.constant 0 : i32
      %dma_start3A_241 = tpu.memref_slice %arg6[%add3A_236, %dma_start3A_240] : memref<32x48xi32, #tpu.memory_space<vmem>> -> memref<1x48xi32, #tpu.memory_space<vmem>>
      %dma_start3A_242 = tpu.memref_squeeze %dma_start3A_241 : memref<1x48xi32, #tpu.memory_space<vmem>> -> memref<48xi32, #tpu.memory_space<vmem>>
      %dma_start3A_243 = arith.constant 0 : i32
      %dma_start3A_244 = arith.constant 0 : i32
      %dma_start3A_245 = tpu.memref_slice %arg2[%dma_start3A_243, %dma_start3A_244] : memref<30522x768xf32, #tpu.memory_space<hbm>> -> memref<30522x768xf32, #tpu.memory_space<hbm>>
      tpu.enqueue_indirect_dma source(%dma_start3A_245 : memref<30522x768xf32, #tpu.memory_space<hbm>>) target(%dma_start3A_239 : memref<48x768xf32, #tpu.memory_space<vmem>>) offsets(%dma_start3A_242 : memref<48xi32, #tpu.memory_space<vmem>>) semaphore(%arg13 : memref<!tpu.dma_semaphore, #tpu.memory_space<semaphore_mem>>)
      %dma_start3A_246 = arith.constant 0 : i32
      %dma_start3A_247 = tpu.memref_slice %arg7[%add3A_236, %dma_start3A_246] : memref<32x8xi32, #tpu.memory_space<vmem>> -> memref<1x8xi32, #tpu.memory_space<vmem>>
      %dma_start3A_248 = tpu.memref_squeeze %dma_start3A_247 : memref<1x8xi32, #tpu.memory_space<vmem>> -> memref<8xi32, #tpu.memory_space<vmem>>
      %dma_start3A_249 = arith.constant 0 : i32
      %dma_start3A_250 = arith.constant 0 : i32
      %dma_start3A_251 = tpu.memref_slice %arg2[%dma_start3A_249, %dma_start3A_250] : memref<30522x768xf32, #tpu.memory_space<hbm>> -> memref<30522x768xf32, #tpu.memory_space<hbm>>
      tpu.enqueue_indirect_dma source(%dma_start3A_251 : memref<30522x768xf32, #tpu.memory_space<hbm>>) target(%arg11 : memref<8x768xf32, #tpu.memory_space<vmem>>) offsets(%dma_start3A_248 : memref<8xi32, #tpu.memory_space<vmem>>) semaphore(%arg13 : memref<!tpu.dma_semaphore, #tpu.memory_space<semaphore_mem>>)
    }
    %scan3A_39 = arith.constant 15 : i32
    %dma_wait3A = arith.constant 0 : i32
    %dma_wait3A_40 = arith.constant 0 : i32
    %dma_wait3A_41 = arith.constant 0 : i32
    %dma_wait3A_42 = tpu.memref_slice %arg8[%dma_wait3A_40, %dma_wait3A_41] : memref<50x768xf32, #tpu.memory_space<vmem>> -> memref<48x768xf32, #tpu.memory_space<vmem>>
    %dma_wait3A_43 = arith.constant 0 : i32
    %dma_wait3A_44 = tpu.memref_slice %arg6[%dma_wait3A, %dma_wait3A_43] : memref<32x48xi32, #tpu.memory_space<vmem>> -> memref<1x48xi32, #tpu.memory_space<vmem>>
    %dma_wait3A_45 = tpu.memref_squeeze %dma_wait3A_44 : memref<1x48xi32, #tpu.memory_space<vmem>> -> memref<48xi32, #tpu.memory_space<vmem>>
    %dma_wait3A_46 = arith.constant 0 : i32
    %dma_wait3A_47 = arith.constant 0 : i32
    %dma_wait3A_48 = tpu.memref_slice %arg2[%dma_wait3A_46, %dma_wait3A_47] : memref<30522x768xf32, #tpu.memory_space<hbm>> -> memref<30522x768xf32, #tpu.memory_space<hbm>>
    tpu.wait_indirect_dma semaphore(%arg12 : memref<!tpu.dma_semaphore, #tpu.memory_space<semaphore_mem>>) src(%dma_wait3A_48 : memref<30522x768xf32, #tpu.memory_space<hbm>>) dst(%dma_wait3A_42 : memref<48x768xf32, #tpu.memory_space<vmem>>)
    %dma_wait3A_49 = arith.constant 0 : i32
    %dma_wait3A_50 = arith.constant 0 : i32
    %dma_wait3A_51 = tpu.memref_slice %arg7[%dma_wait3A_49, %dma_wait3A_50] : memref<32x8xi32, #tpu.memory_space<vmem>> -> memref<1x8xi32, #tpu.memory_space<vmem>>
    %dma_wait3A_52 = tpu.memref_squeeze %dma_wait3A_51 : memref<1x8xi32, #tpu.memory_space<vmem>> -> memref<8xi32, #tpu.memory_space<vmem>>
    %dma_wait3A_53 = arith.constant 0 : i32
    %dma_wait3A_54 = arith.constant 0 : i32
    %dma_wait3A_55 = tpu.memref_slice %arg2[%dma_wait3A_53, %dma_wait3A_54] : memref<30522x768xf32, #tpu.memory_space<hbm>> -> memref<30522x768xf32, #tpu.memory_space<hbm>>
    tpu.wait_indirect_dma semaphore(%arg12 : memref<!tpu.dma_semaphore, #tpu.memory_space<semaphore_mem>>) src(%dma_wait3A_55 : memref<30522x768xf32, #tpu.memory_space<hbm>>) dst(%arg10 : memref<8x768xf32, #tpu.memory_space<vmem>>)
    %get3A = arith.constant 0 : index
    %get3A_56 = arith.constant 0 : index
    %get3A_57 = tpu.vector_load %arg10[%get3A, %get3A_56] {strides = array<i32>} : memref<8x768xf32, #tpu.memory_space<vmem>>, vector<2x768xf32>,
    %get3A_58 = vector.shape_cast %get3A_57 : vector<2x768xf32> to vector<2x768xf32>
    %swap3A = arith.constant 48 : index
    %swap3A_59 = arith.constant 0 : index
    %swap3A_60 = tpu.vector_load %arg8[%swap3A, %swap3A_59] {strides = array<i32>} : memref<50x768xf32, #tpu.memory_space<vmem>>, vector<2x768xf32>,
    %swap3A_61 = vector.shape_cast %swap3A_60 : vector<2x768xf32> to vector<2x768xf32>
    %swap3A_62 = vector.shape_cast %get3A_58 : vector<2x768xf32> to vector<2x768xf32>
    tpu.vector_store %arg8[%swap3A, %swap3A_59], %swap3A_62 {strides = array<i32>} : memref<50x768xf32, #tpu.memory_space<vmem>>, vector<2x768xf32>,
    %add3A_63 = arith.constant 30 : i32
    %add3A_64 = arith.addi %mul3A_2, %add3A_63 : i32
    %dma_start3A_65 = arith.constant 0 : i32
    %dma_start3A_66 = arith.constant 0 : i32
    %dma_start3A_67 = tpu.memref_slice %arg5[%add3A_64, %dma_start3A_65, %dma_start3A_66] : memref<1024x50x768xf32, #tpu.memory_space<hbm>> -> memref<1x50x768xf32, #tpu.memory_space<hbm>>
    %dma_start3A_68 = tpu.memref_squeeze %dma_start3A_67 : memref<1x50x768xf32, #tpu.memory_space<hbm>> -> memref<50x768xf32, #tpu.memory_space<hbm>>
    %dma_start3A_69 = arith.constant 0 : i32
    %dma_start3A_70 = arith.constant 0 : i32
    %dma_start3A_71 = tpu.memref_slice %arg5[%add3A_64, %dma_start3A_69, %dma_start3A_70] : memref<1024x50x768xf32, #tpu.memory_space<hbm>> -> memref<1x50x768xf32, #tpu.memory_space<hbm>>
    %dma_start3A_72 = tpu.memref_squeeze %dma_start3A_71 : memref<1x50x768xf32, #tpu.memory_space<hbm>> -> memref<50x768xf32, #tpu.memory_space<hbm>>
    tpu.enqueue_dma source(%arg8 : memref<50x768xf32, #tpu.memory_space<vmem>>) target(%dma_start3A_72 : memref<50x768xf32, #tpu.memory_space<hbm>>) target_semaphore(%arg14 : memref<!tpu.dma_semaphore, #tpu.memory_space<semaphore_mem>>)
    %dma_wait3A_73 = arith.constant 0 : i32
    %dma_wait3A_74 = arith.constant 0 : i32
    %dma_wait3A_75 = arith.constant 0 : i32
    %dma_wait3A_76 = tpu.memref_slice %arg9[%dma_wait3A_74, %dma_wait3A_75] : memref<50x768xf32, #tpu.memory_space<vmem>> -> memref<48x768xf32, #tpu.memory_space<vmem>>
    %dma_wait3A_77 = arith.constant 0 : i32
    %dma_wait3A_78 = tpu.memref_slice %arg6[%dma_wait3A_73, %dma_wait3A_77] : memref<32x48xi32, #tpu.memory_space<vmem>> -> memref<1x48xi32, #tpu.memory_space<vmem>>
    %dma_wait3A_79 = tpu.memref_squeeze %dma_wait3A_78 : memref<1x48xi32, #tpu.memory_space<vmem>> -> memref<48xi32, #tpu.memory_space<vmem>>
    %dma_wait3A_80 = arith.constant 0 : i32
    %dma_wait3A_81 = arith.constant 0 : i32
    %dma_wait3A_82 = tpu.memref_slice %arg2[%dma_wait3A_80, %dma_wait3A_81] : memref<30522x768xf32, #tpu.memory_space<hbm>> -> memref<30522x768xf32, #tpu.memory_space<hbm>>
    tpu.wait_indirect_dma semaphore(%arg13 : memref<!tpu.dma_semaphore, #tpu.memory_space<semaphore_mem>>) src(%dma_wait3A_82 : memref<30522x768xf32, #tpu.memory_space<hbm>>) dst(%dma_wait3A_76 : memref<48x768xf32, #tpu.memory_space<vmem>>)
    %dma_wait3A_83 = arith.constant 0 : i32
    %dma_wait3A_84 = arith.constant 0 : i32
    %dma_wait3A_85 = tpu.memref_slice %arg7[%dma_wait3A_83, %dma_wait3A_84] : memref<32x8xi32, #tpu.memory_space<vmem>> -> memref<1x8xi32, #tpu.memory_space<vmem>>
    %dma_wait3A_86 = tpu.memref_squeeze %dma_wait3A_85 : memref<1x8xi32, #tpu.memory_space<vmem>> -> memref<8xi32, #tpu.memory_space<vmem>>
    %dma_wait3A_87 = arith.constant 0 : i32
    %dma_wait3A_88 = arith.constant 0 : i32
    %dma_wait3A_89 = tpu.memref_slice %arg2[%dma_wait3A_87, %dma_wait3A_88] : memref<30522x768xf32, #tpu.memory_space<hbm>> -> memref<30522x768xf32, #tpu.memory_space<hbm>>
    tpu.wait_indirect_dma semaphore(%arg13 : memref<!tpu.dma_semaphore, #tpu.memory_space<semaphore_mem>>) src(%dma_wait3A_89 : memref<30522x768xf32, #tpu.memory_space<hbm>>) dst(%arg11 : memref<8x768xf32, #tpu.memory_space<vmem>>)
    %get3A_90 = arith.constant 0 : index
    %get3A_91 = arith.constant 0 : index
    %get3A_92 = tpu.vector_load %arg11[%get3A_90, %get3A_91] {strides = array<i32>} : memref<8x768xf32, #tpu.memory_space<vmem>>, vector<2x768xf32>,
    %get3A_93 = vector.shape_cast %get3A_92 : vector<2x768xf32> to vector<2x768xf32>
    %swap3A_94 = arith.constant 48 : index
    %swap3A_95 = arith.constant 0 : index
    %swap3A_96 = tpu.vector_load %arg9[%swap3A_94, %swap3A_95] {strides = array<i32>} : memref<50x768xf32, #tpu.memory_space<vmem>>, vector<2x768xf32>,
    %swap3A_97 = vector.shape_cast %swap3A_96 : vector<2x768xf32> to vector<2x768xf32>
    %swap3A_98 = vector.shape_cast %get3A_93 : vector<2x768xf32> to vector<2x768xf32>
    tpu.vector_store %arg9[%swap3A_94, %swap3A_95], %swap3A_98 {strides = array<i32>} : memref<50x768xf32, #tpu.memory_space<vmem>>, vector<2x768xf32>,
    %add3A_99 = arith.constant 31 : i32
    %add3A_100 = arith.addi %mul3A_2, %add3A_99 : i32
    %dma_start3A_101 = arith.constant 0 : i32
    %dma_start3A_102 = arith.constant 0 : i32
    %dma_start3A_103 = tpu.memref_slice %arg5[%add3A_100, %dma_start3A_101, %dma_start3A_102] : memref<1024x50x768xf32, #tpu.memory_space<hbm>> -> memref<1x50x768xf32, #tpu.memory_space<hbm>>
    %dma_start3A_104 = tpu.memref_squeeze %dma_start3A_103 : memref<1x50x768xf32, #tpu.memory_space<hbm>> -> memref<50x768xf32, #tpu.memory_space<hbm>>
    %dma_start3A_105 = arith.constant 0 : i32
    %dma_start3A_106 = arith.constant 0 : i32
    %dma_start3A_107 = tpu.memref_slice %arg5[%add3A_100, %dma_start3A_105, %dma_start3A_106] : memref<1024x50x768xf32, #tpu.memory_space<hbm>> -> memref<1x50x768xf32, #tpu.memory_space<hbm>>
    %dma_start3A_108 = tpu.memref_squeeze %dma_start3A_107 : memref<1x50x768xf32, #tpu.memory_space<hbm>> -> memref<50x768xf32, #tpu.memory_space<hbm>>
    tpu.enqueue_dma source(%arg9 : memref<50x768xf32, #tpu.memory_space<vmem>>) target(%dma_start3A_108 : memref<50x768xf32, #tpu.memory_space<hbm>>) target_semaphore(%arg15 : memref<!tpu.dma_semaphore, #tpu.memory_space<semaphore_mem>>)
    %dma_wait3A_109 = arith.constant 0 : i32
    %dma_wait3A_110 = arith.constant 0 : i32
    %dma_wait3A_111 = tpu.memref_slice %arg5[%mul3A_2, %dma_wait3A_109, %dma_wait3A_110] : memref<1024x50x768xf32, #tpu.memory_space<hbm>> -> memref<1x50x768xf32, #tpu.memory_space<hbm>>
    %dma_wait3A_112 = tpu.memref_squeeze %dma_wait3A_111 : memref<1x50x768xf32, #tpu.memory_space<hbm>> -> memref<50x768xf32, #tpu.memory_space<hbm>>
    %dma_wait3A_113 = arith.constant 0 : i32
    %dma_wait3A_114 = arith.constant 0 : i32
    %dma_wait3A_115 = tpu.memref_slice %arg5[%mul3A_2, %dma_wait3A_113, %dma_wait3A_114] : memref<1024x50x768xf32, #tpu.memory_space<hbm>> -> memref<1x50x768xf32, #tpu.memory_space<hbm>>
    %dma_wait3A_116 = tpu.memref_squeeze %dma_wait3A_115 : memref<1x50x768xf32, #tpu.memory_space<hbm>> -> memref<50x768xf32, #tpu.memory_space<hbm>>
    tpu.wait_dma2 semaphore(%arg14 : memref<!tpu.dma_semaphore, #tpu.memory_space<semaphore_mem>>) src(%arg8 : memref<50x768xf32, #tpu.memory_space<vmem>>) dst(%dma_wait3A_116 : memref<50x768xf32, #tpu.memory_space<hbm>>)
    %dma_wait3A_117 = arith.constant 0 : i32
    %dma_wait3A_118 = arith.constant 0 : i32
    %dma_wait3A_119 = tpu.memref_slice %arg5[%mul3A_2, %dma_wait3A_117, %dma_wait3A_118] : memref<1024x50x768xf32, #tpu.memory_space<hbm>> -> memref<1x50x768xf32, #tpu.memory_space<hbm>>
    %dma_wait3A_120 = tpu.memref_squeeze %dma_wait3A_119 : memref<1x50x768xf32, #tpu.memory_space<hbm>> -> memref<50x768xf32, #tpu.memory_space<hbm>>
    %dma_wait3A_121 = arith.constant 0 : i32
    %dma_wait3A_122 = arith.constant 0 : i32
    %dma_wait3A_123 = tpu.memref_slice %arg5[%mul3A_2, %dma_wait3A_121, %dma_wait3A_122] : memref<1024x50x768xf32, #tpu.memory_space<hbm>> -> memref<1x50x768xf32, #tpu.memory_space<hbm>>
    %dma_wait3A_124 = tpu.memref_squeeze %dma_wait3A_123 : memref<1x50x768xf32, #tpu.memory_space<hbm>> -> memref<50x768xf32, #tpu.memory_space<hbm>>
    tpu.wait_dma2 semaphore(%arg15 : memref<!tpu.dma_semaphore, #tpu.memory_space<semaphore_mem>>) src(%arg9 : memref<50x768xf32, #tpu.memory_space<vmem>>) dst(%dma_wait3A_124 : memref<50x768xf32, #tpu.memory_space<hbm>>)
    return
  }
}

</mosaic_0001>

<sc_bundles>
// kernel: kernel.3.cloned.1.call-start
scs
__scs_entry_jumppad:
0x0: {  	(pc) =	sbr.rel $0x88, $3  }
0x1: {  	(tag) =	ssettag $0x0;
	lr =	simm.s32 $0x1  }
0x2: {  	[smem:$0x3F9F] =	sst lr;
	_ =	strace $0xD0000000  }
0x3: {  	_ = 	snop  }
0x4: {  	_ = 	snop  }
0x5: {  	_ = 	snop  }
0x6: {  	_ = 	snop  }
0x7: {  	_ = 	snop  }
__scs_overlays_trampoline_lowered:
0x8: {  	[smem:$0x3FAE] =	sst s0  }
0x9: {  	[smem:$0x3FAF] =	sst s1  }
0xa: {  	[smem:$0x3FB0] =	sst s2  }
0xb: {  	[smem:$0x3FB1] =	sst s3  }
0xc: {  	[smem:$0x3FB2] =	sst s4  }
0xd: {  	[smem:$0x3FB3] =	sst s5  }
0xe: {  	[smem:$0x3FB4] =	sst s6  }
0xf: {  	[smem:$0x3FB5] =	sst s7  }
0x10: {  	[smem:$0x3FB6] =	sst s8  }
0x11: {  	[smem:$0x3FB7] =	sst s9;
	s0 =	simm.s32 @!p0 $0x0  }
0x12: {  	s1 =	sld [smem:$0x3F9D];
	s0 =	simm.s32 @p0 $0x1  }
0x13: {  	[smem:$0x3FB8] =	sst s0;
	s0 =	simm.s32 @!p1 $0x0  }
0x14: {  	s2 =	sld [smem:$0x3F9C];
	s0 =	simm.s32 @p1 $0x1  }
0x15: {  	[smem:$0x3FB9] =	sst s0;
	s0 =	simm.s32 @!p2 $0x0  }
0x16: {  	s3 =	sld [smem:$0x3FDB];
	s0 =	simm.s32 @p2 $0x1  }
0x17: {  	s4 =	simm.s32 $0x1BF5;
	[smem:$0x3FBB] =	sst s0  }
0x18: {  	s0 =	sld [smem:$0x3F9E];
	_ =	swait.ge [sflag:s4], $0x0  }
0x19: {  	s7 =	sld [smem:$0x3F9F]  }
0x1a: {  	s8 =	sadd.s32 $0xFFFFE003, lr  }
0x1b: {  	s9 =	sadd.s32 $0xFFFFFEF7, lr;
	s5 =	simm.s32 $0xFFFFFFFF;
	p2 =	slt.u32 s8, $0xFFFFF086  }
0x1c: {  	p1 =	slt.u32 s9, $0xF7A;
	s5 =	simm.s32 @!p2 $0x0  }
0x1d: {  	s5 =	simm.s32 @p1 $0x1;
	p0 =	seq.s32 s7, s2  }
0x1e: {  	s7 =	smul.u32 @!p0 $0xF7A, s2;
	p2 =	seq.s32 @!p0 s5, $0x0  }
0x1f: {  	s9 =	smul.u32 $0xF7A, s1;
	s8 =	simm.s32 @!p0 $0x1BF5;
	p2 =	por !p2, p0  }
0x20: {  	[sflag:s8] =	ssyncset.s32 @!p0 $0xFFFFF086;
	s6 =	sadd.s32 @!p0 s3, s7;
	s7 =	simm.s32 @!p0 $0x108  }
0x21: {  	s3 =	sadd.s32 s3, s9;
	s6 =	sadd.s32 @!p0 $0x88, s6;
	s7 =	simm.s32 @p2 $0x1082  }
0x22: {  	[simem:s7], [sflag:s8] =	dma.local @!p0 [hbm:s6], $0xF7A  }
0x23: {  	s9 =	sor.u32 $0xD0000000, s2;
	s6 =	simm.s32 $0x108;
	_ =	swait.ge @!p0 [sflag:s8], $0x0  }
0x24: {  	s3 =	sadd.s32 $0x88, s3;
	s6 =	simm.s32 @!p1 $0x1082;
	[sflag:s4] =	ssyncset.s32 $0xFFFFF086  }
0x25: {  	[simem:s6], [sflag:s4] =	dma.local [hbm:s3], $0xF7A  }
0x26: {  	[smem:$0x3F9F] =	sst s1;
	(tag) =	ssettag s2;
	_ =	strace s9  }
0x27: {  	s1 =	sld [smem:$0x3FAF]  }
0x28: {  	s2 =	sld [smem:$0x3FB0]  }
0x29: {  	s4 =	sld [smem:$0x3FB2]  }
0x2a: {  	p0 =	seq.s32 s5, $0x0;
	s5 =	sld [smem:$0x3FB3]  }
0x2b: {  	s6 =	sld [smem:$0x3FB4]  }
0x2c: {  	s7 =	sld [smem:$0x3FB5]  }
0x2d: {  	s3 =	simm.s32 $0x108;
	s8 =	sld [smem:$0x3FB6]  }
0x2e: {  	s3 =	simm.s32 @!p0 $0x1082;
	s9 =	sld [smem:$0x3FB7]  }
0x2f: {  	lr =	sadd.s32 s0, s3;
	s0 =	sld [smem:$0x3FAE]  }
0x30: {  	s3 =	sld [smem:$0x3FB1]  }
0x31: {  	[smem:$0x3FBA] =	sst s10  }
0x32: {  	s10 =	sld [smem:$0x3FB8];
	_ =	sdelay $0x3  }
0x33: {  	p0 =	seq.s32 s10, $0x1;
	s10 =	sld [smem:$0x3FBA];
	_ =	sdelay $0x3  }
0x34: {  	[smem:$0x3FBA] =	sst s10  }
0x35: {  	s10 =	sld [smem:$0x3FB9];
	_ =	sdelay $0x3  }
0x36: {  	p1 =	seq.s32 s10, $0x1;
	s10 =	sld [smem:$0x3FBA];
	_ =	sdelay $0x3  }
0x37: {  	[smem:$0x3FBA] =	sst s10  }
0x38: {  	s10 =	sld [smem:$0x3FBB]  }
0x39: {  	_ = 	snop;
	(pc) =	sbr.ind lr, $3  }
0x3a: {  	_ = 	snop  }
0x3b: {  	_ = 	snop  }
0x3c: {  	p2 =	seq.s32 s10, $0x1;
	s10 =	sld [smem:$0x3FBA]  }
0x3d: {  	_ =	shalt  }
0x3e: {  	_ =	shalt  }
0x3f: {  	_ =	shalt  }
0x40: {  	_ =	shalt  }
0x41: {  	_ =	shalt  }
0x42: {  	_ =	shalt  }
0x43: {  	_ =	shalt  }
0x44: {  	_ =	shalt  }
0x45: {  	_ =	shalt  }
0x46: {  	_ =	shalt  }
0x47: {  	_ =	shalt  }
0x48: {  	_ =	shalt  }
0x49: {  	_ =	shalt  }
0x4a: {  	_ =	shalt  }
0x4b: {  	_ =	shalt  }
0x4c: {  	_ =	shalt  }
0x4d: {  	_ =	shalt  }
0x4e: {  	_ =	shalt  }
0x4f: {  	_ =	shalt  }
0x50: {  	_ =	shalt  }
0x51: {  	_ =	shalt  }
0x52: {  	_ =	shalt  }
0x53: {  	_ =	shalt  }
0x54: {  	_ =	shalt  }
0x55: {  	_ =	shalt  }
0x56: {  	_ =	shalt  }
0x57: {  	_ =	shalt  }
0x58: {  	_ =	shalt  }
0x59: {  	_ =	shalt  }
0x5a: {  	_ =	shalt  }
0x5b: {  	_ =	shalt  }
0x5c: {  	_ =	shalt  }
0x5d: {  	_ =	shalt  }
0x5e: {  	_ =	shalt  }
0x5f: {  	_ =	shalt  }
0x60: {  	_ =	shalt  }
0x61: {  	_ =	shalt  }
0x62: {  	_ =	shalt  }
0x63: {  	_ =	shalt  }
0x64: {  	_ =	shalt  }
0x65: {  	_ =	shalt  }
0x66: {  	_ =	shalt  }
0x67: {  	_ =	shalt  }
0x68: {  	_ =	shalt  }
0x69: {  	_ =	shalt  }
0x6a: {  	_ =	shalt  }
0x6b: {  	_ =	shalt  }
0x6c: {  	_ =	shalt  }
0x6d: {  	_ =	shalt  }
0x6e: {  	_ =	shalt  }
0x6f: {  	_ =	shalt  }
0x70: {  	_ =	shalt  }
0x71: {  	_ =	shalt  }
0x72: {  	_ =	shalt  }
0x73: {  	_ =	shalt  }
0x74: {  	_ =	shalt  }
0x75: {  	_ =	shalt  }
0x76: {  	_ =	shalt  }
0x77: {  	_ =	shalt  }
0x78: {  	_ =	shalt  }
0x79: {  	_ =	shalt  }
0x7a: {  	_ =	shalt  }
0x7b: {  	_ =	shalt  }
0x7c: {  	_ =	shalt  }
0x7d: {  	_ =	shalt  }
0x7e: {  	_ =	shalt  }
0x7f: {  	_ =	shalt  }
0x80: {  	_ =	shalt  }
0x81: {  	_ =	shalt  }
0x82: {  	_ =	shalt  }
0x83: {  	_ =	shalt  }
0x84: {  	_ =	shalt  }
0x85: {  	_ =	shalt  }
0x86: {  	_ =	shalt  }
0x87: {  	_ =	shalt  }
.Lfunc_end0:
.L_simem_size_0:
called_computation_lowered:
.L_overlay_start_0:
0x88: {  	s2 =	sld [smem:$0x3FD9]  }
0x89: {  	s3 =	sld [smem:$0x3FFE];
	_ =	sdelay $0x1  }
0x8a: {  	s1 =	srdreg.scid  }
0x8b: {  	s0 =	sand.u32 $0x1, s1  }
0x8c: {  	s17 =	sshll.u32 s0, $0xA;
	s2 =	sadd.s32 s3, s2  }
0x8d: {  	s2 =	sadd.s32 s2, s17  }
0x8e: {  	[smem:$0x3FC6] =	sst s2  }
0x8f: {  	_ = 	snop  }
0x90: {  	s2 =	sld [smem:$0x3FC8]  }
0x91: {  	s18 =	sld [smem:$0x3FD0];
	(tm) =	ssettm $0x1  }
0x92: {  	s4 =	sld [smem:$0x3FFB];
	_ =	sdelay $0x3  }
0x93: {  	_ =	strace s4  }
0x94: {  	s4 =	sld [smem:$0x3FFC];
	_ =	sdelay $0x3  }
0x95: {  	_ =	strace s4  }
0x96: {  	s4 =	sld [smem:$0x3FFD];
	_ =	sdelay $0x3  }
0x97: {  	_ =	strace s4  }
0x98: {  	_ =	strace $0x8FFFFFFF  }
0x99: {  	s19 =	sld [smem:$0x3FDB];
	_ =	sdelay $0x1  }
0x9a: {  	s5 =	simm.s32 $_scs_section_size  }
0x9b: {  	s6 =	simm.s32 $_size__tile_overlayer_lowered;
	s7 =	simm.s32 $_tile_overlayer_lowered  }
0x9c: {  	s22 =	simm.s32 $0x1BFF;
	s21 =	sshll.u32 s7, $0x1;
	s4 =	sadd.s32 s5, s19  }
0x9d: {  	s8 =	simm.s32 $0x0;
	s20 =	sshll.u32 s6, $0x1;
	s6 =	sadd.s32 s21, s4  }
0x9e: {  	[timem:s8], [sflag:s22] =	dma.local [hbm:s6], s20  }
0x9f: {  	_ =	swait.ge [sflag:s22], s20  }
0xa0: {  	s5 =	ssub.s32 $0x0, s20;
	[sflag:s22] =	ssyncset.done $0x0  }
0xa1: {  	[sflag:s22] =	ssyncadd.s32 s5;
	_ =	sdelay $0x1  }
0xa2: {  	s23 =	simm.s32 $0x1B8B  }
0xa3: {  	_ =	swait.ge [sflag:s23], $0x1  }
0xa4: {  	[sflag:s23] =	ssyncset.done $0x0  }
0xa5: {  	s25 =	simm.s32 $0x1B8E;
	s24 =	sld [smem:$0x3FFE];
	[sflag:s23] =	ssyncadd.s32 $0xFFFFFFFF  }
0xa6: {  	s26 =	simm.s32 $execute0_lowered;
	[smem:$0x3FD2] =	sst s25  }
0xa7: {  	s6 =	sshll.u32 s26, $0x1;
	_ =	strace $0x80000046;
	[dreg:$0x1] =	wrdreg $0xFFFFFFFF  }
0xa8: {  	s28 =	simm.s32 $_size_execute0_lowered;
	s4 =	sadd.s32 s4, s6;
	[dreg:$0x0] =	wrdreg $0x0  }
0xa9: {  	s6 =	sshll.u32 s28, $0x1;
	[dreg:$0x2] =	wrdreg s4  }
0xaa: {  	[dreg:$0x3] =	wrdreg s6  }
0xab: {  	[dreg:$0x4] =	wrdreg $0xC0  }
0xac: {  	_ =	task [dreg:s8], $0x5FFFF  }
0xad: {  	[dreg:$0x1] =	wrdreg $0xFFFFFFFF  }
0xae: {  	[dreg:$0x0] =	wrdreg $0x60  }
0xaf: {  	[dreg:$0x2] =	wrdreg s2  }
0xb0: {  	[dreg:$0x3] =	wrdreg s18  }
0xb1: {  	[dreg:$0x4] =	wrdreg s24  }
0xb2: {  	[dreg:$0x5] =	wrdreg $0x9  }
0xb3: {  	_ =	task.clear_ibuf [dreg:s8], $0x6FFFF;
	_ =	strace $0x90000046  }
0xb4: {  	s29 =	simm.s32 $0x9;
	_ =	strace $0x80000048  }
0xb5: {  	_ =	swait.ge [sflag:s29], $0x1  }
0xb6: {  	[sflag:s29] =	ssyncadd.s32 $0xFFFFFFFF  }
0xb7: {  	_ =	strace $0x90000048  }
0xb8: {  	_ =	sfence  }
0xb9: {  	s30 =	sld [smem:$0x0];
	_ =	sdelay $0x2  }
0xba: {  	s31 =	sshll.u32 s1, $0xD;
	s1 =	sshrl.u32 s1, $0x2  }
0xbb: {  	s3 =	sand.u32 $0x4000, s31;
	s1 =	sadd.s32 s1, s30  }
0xbc: {  	s0 =	sor.u32 s3, s0;
	s1 =	sshll.u32 s1, $0x11  }
0xbd: {  	s0 =	sor.u32 s1, s0  }
0xbe: {  	s0 =	sadd.s32 $0x8F2B, s0  }
0xbf: {  	[sflag:s0] =	ssyncadd.remote.s32 $0x1  }
0xc0: {  	_ =	sfence.sel $0xFFFF  }
0xc1: {  	[dreg:$0x0] =	wrdreg $0xFFFFFFFF;
	(pc) =	sbr.abs _section_cstart, $3  }
0xc2: {  	[dreg:$0x1] =	wrdreg $0xFFFFFFFF  }
0xc3: {  	_ =	task.clear_ibuf [dreg:s8], $0x2FFFF;
	_ =	strace $0x9FFFFFFF  }
0xc4: {  	(tm) =	ssettm $0x7FFFFFFF  }
0xc5: {  	_ =	shalt  }
tec
execute0_lowered:
.L_overlay_start_1:
0x0: {  	(tag) =	ssettag $0x1  }
0x1: {  	s1 =	rddreg [dreg:$0x0]  }
0x2: {  	s0 =	rddreg [dreg:$0x1];
	s2 =	srdreg.scid  }
0x3: {  	s10 =	stileid.u32;
	s4 =	rddreg [dreg:$0x2]  }
0x4: {  	s3 =	simm.s32 $0x0;
	s14 =	simm.s32 $0x2000;
	s31 =	simm.s32 $0x1  }
0x5: {  	s13 =	simm.s32 $0x4;
	s17 =	simm.s32 $0xE800;
	s18 =	simm.s32 $0xF000  }
0x6: {  	s19 =	simm.s32 $0xF800;
	s20 =	simm.s32 $0x10000;
	s21 =	simm.s32 $0x10800  }
0x7: {  	s28 =	simm.s32 $0x13800;
	s29 =	simm.s32 $0x14000;
	s30 =	simm.s32 $0x14800  }
0x8: {  	s11 =	simm.s32 $0x18800;
	s12 =	simm.s32 $0x19000;
	s15 =	simm.s32 $0x19800  }
0x9: {  	s2 =	sand.u32 $0x1, s2;
	s5 =	sshll.u32 s10, $0x1;
	[smem:$0x7FF] =	sst s3  }
0xa: {  	s23 =	smul.u32 $0x54000, s10;
	s10 =	simm.s32 $0x15000;
	s5 =	sor.u32 s2, s5  }
0xb: {  	s7 =	ssub.s32 $0x2, s2;
	_ =	strace $0x80000047;
	s2 =	smul.u32 $0x2A000, s2  }
0xc: {  	s6 =	sshll.u32 s5, $0x9;
	s9 =	sshrl.u32 s7, $0x1;
	s5 =	smul.u32 $0x150000, s5  }
0xd: {  	s8 =	sadd.s32 s6, s4;
	s4 =	sadd.s32 $0x4400, s4;
	s9 =	ssub.s32 s7, s9  }
0xe: {  	s0 =	sadd.s32 s0, s6;
	s6 =	sadd.s32 $0x100, s1;
	s7 =	sadd.s32 $0x200, s1  }
0xf: {  	[dreg:$0x4] =	wrdreg s0;
	s22 =	sadd.s32 $0x400, s8;
	s5 =	sshrl.u32 s5, $0x3  }
0x10: {  	s0 =	sadd.s32 s23, s4;
	s26 =	smax.u32 s9, $0x1;
	s8 =	simm.s32 $0x0  }
0x11: {  	s23 =	simm.s32 $0x11800;
	[dreg:$0x5] =	wrdreg s22;
	s5 =	sadd.s32 s4, s5  }
0x12: {  	s0 =	sadd.s32 s2, s0;
	[dreg:$0x8] =	wrdreg s26;
	s24 =	sadd.s32 $0x27600, s5  }
0x13: {  	s2 =	simm.s32 $0x2;
	s25 =	sadd.s32 $0x28B00, s5;
	[dreg:$0x6] =	wrdreg s24  }
0x14: {  	v2 =	vlaneseq.u32;
	s22 =	simm.s32 $0x11000;
	s0 =	sadd.s32 $0x1500, s0;
	[dreg:$0x7] =	wrdreg s25  }
0x15: {  	vm0 =	vmmov $0xffff;
	v1 =	vshrl.u32 v2, $0x3;
	s26 =	simm.s32 $0x13000;
	s5 =	simm.s32 $0xC800;
	[dreg:$0x9] =	wrdreg s0  }
0x16: {  	v0 =	vand.u32 $0x7, v2;
	v2 =	vor.u32 $0x8, v2;
	v1 =	vmul.u32 $0x8, v1;
	s0 =	simm.s32 $0x3;
	s24 =	simm.s32 $0x12000;
	s25 =	simm.s32 $0x12800  }
.LBB2_1:
0x17: {  	[dreg:$0xa] =	wrdreg s8  }
0x18: {  	s4 =	rddreg [dreg:$0x4];
	s8 =	simm.s32 $0x5  }
0x19: {  	[tilespmem:s3], [sflag:$0x5] =	stream.linear.gather [hbm4b:s4+s3], $0x1000, $0x38;
	[tilespmem:$0x1A000] =	vst v63  }
0x1a: {  	_ =	swait.ge [sflag:s8], $0x1000  }
0x1b: {  	[sflag:s8] =	ssyncset.done $0x0  }
0x1c: {  	s9 =	simm.s32 $0x1000;
	s16 =	rddreg [dreg:$0x5];
	[sflag:s8] =	ssyncadd.s32 $0xFFFFF000  }
0x1d: {  	[tilespmem:s9], [sflag:$0x5] =	stream.linear.gather [hbm4b:s16+s3], $0x1000, $0x38;
	[tilespmem:$0x1A000] =	vst v63  }
0x1e: {  	_ =	swait.ge [sflag:s8], $0x1000  }
0x1f: {  	[sflag:s8] =	ssyncset.done $0x0  }
0x20: {  	[sflag:s8] =	ssyncadd.s32 $0xFFFFF000  }
0x21: {  	v3 =	vld [tilespmem:$0x0];
	_ =	sdelay $0x4  }
0x22: {  	v4 =	vshrl.u32 v3, $0x3  }
0x23: {  	v4 =	vmul.u32 $0x30, v4  }
0x24: {  	v3 =	vand.u32 $0x7, v3  }
0x25: {  	v3 =	vor.u32 v3, v4  }
0x26: {  	v4 =	vperm.xlane v3, v0;
	_ =	sdelay $0x1  }
0x27: {  	v4 =	vadd.s32 v1, v4;
	_ =	sdelay $0x3  }
0x28: {  	v3 =	vperm.xlane v3, v2  }
0x29: {  	[tilespmem:s14], [sflag:$0x1] =	stream.indirect_vreg.gather [hbm4b:s1+s3], $0x80, v4, vm0, $0xb8;
	[tilespmem:$0x1A000] =	vst v63  }
0x2a: {  	s9 =	simm.s32 $0x2800;
	v3 =	vadd.s32 v1, v3  }
0x2b: {  	[tilespmem:s9], [sflag:$0x1] =	stream.indirect_vreg.gather [hbm4b:s6+s3], $0x80, v4, vm0, $0xb8;
	[tilespmem:$0x1A000] =	vst v63  }
0x2c: {  	s16 =	simm.s32 $0x3000  }
0x2d: {  	[tilespmem:s16], [sflag:$0x1] =	stream.indirect_vreg.gather [hbm4b:s7+s3], $0x80, v4, vm0, $0xb8;
	[tilespmem:$0x1A000] =	vst v63  }
0x2e: {  	s8 =	simm.s32 $0x3800  }
0x2f: {  	[tilespmem:s8], [sflag:$0x1] =	stream.indirect_vreg.gather [hbm4b:s1+s3], $0x80, v3, vm0, $0xb8;
	[tilespmem:$0x1A000] =	vst v63  }
0x30: {  	s9 =	simm.s32 $0x4000  }
0x31: {  	[tilespmem:s9], [sflag:$0x1] =	stream.indirect_vreg.gather [hbm4b:s6+s3], $0x80, v3, vm0, $0xb8;
	[tilespmem:$0x1A000] =	vst v63  }
0x32: {  	s16 =	simm.s32 $0x4800  }
0x33: {  	[tilespmem:s16], [sflag:$0x1] =	stream.indirect_vreg.gather [hbm4b:s7+s3], $0x80, v3, vm0, $0xb8;
	[tilespmem:$0x1A000] =	vst v63  }
0x34: {  	v3 =	vld [tilespmem:$0x10];
	_ =	sdelay $0x4  }
0x35: {  	v57 =	vshrl.u32 v3, $0x3  }
0x36: {  	v4 =	vmul.u32 $0x30, v57  }
0x37: {  	v3 =	vand.u32 $0x7, v3  }
0x38: {  	v3 =	vor.u32 v3, v4  }
0x39: {  	v4 =	vperm.xlane v3, v0;
	_ =	sdelay $0x1  }
0x3a: {  	v4 =	vadd.s32 v1, v4;
	_ =	sdelay $0x3  }
0x3b: {  	s8 =	simm.s32 $0x5000;
	v3 =	vperm.xlane v3, v2  }
0x3c: {  	[tilespmem:s8], [sflag:$0x1] =	stream.indirect_vreg.gather [hbm4b:s1+s3], $0x80, v4, vm0, $0xb8;
	[tilespmem:$0x1A000] =	vst v63  }
0x3d: {  	s9 =	simm.s32 $0x5800;
	v3 =	vadd.s32 v1, v3  }
0x3e: {  	[tilespmem:s9], [sflag:$0x1] =	stream.indirect_vreg.gather [hbm4b:s6+s3], $0x80, v4, vm0, $0xb8;
	[tilespmem:$0x1A000] =	vst v63  }
0x3f: {  	s16 =	simm.s32 $0x6000  }
0x40: {  	[tilespmem:s16], [sflag:$0x1] =	stream.indirect_vreg.gather [hbm4b:s7+s3], $0x80, v4, vm0, $0xb8;
	[tilespmem:$0x1A000] =	vst v63  }
0x41: {  	s8 =	simm.s32 $0x6800  }
0x42: {  	[tilespmem:s8], [sflag:$0x1] =	stream.indirect_vreg.gather [hbm4b:s1+s3], $0x80, v3, vm0, $0xb8;
	[tilespmem:$0x1A000] =	vst v63  }
0x43: {  	s9 =	simm.s32 $0x7000  }
0x44: {  	[tilespmem:s9], [sflag:$0x1] =	stream.indirect_vreg.gather [hbm4b:s6+s3], $0x80, v3, vm0, $0xb8;
	[tilespmem:$0x1A000] =	vst v63  }
0x45: {  	s16 =	simm.s32 $0x7800  }
0x46: {  	[tilespmem:s16], [sflag:$0x1] =	stream.indirect_vreg.gather [hbm4b:s7+s3], $0x80, v3, vm0, $0xb8;
	[tilespmem:$0x1A000] =	vst v63  }
0x47: {  	v3 =	vld [tilespmem:$0x20];
	_ =	sdelay $0x4  }
0x48: {  	v58 =	vshrl.u32 v3, $0x3  }
0x49: {  	v4 =	vmul.u32 $0x30, v58  }
0x4a: {  	v3 =	vand.u32 $0x7, v3  }
0x4b: {  	v3 =	vor.u32 v3, v4  }
0x4c: {  	v4 =	vperm.xlane v3, v0;
	_ =	sdelay $0x1  }
0x4d: {  	v4 =	vadd.s32 v1, v4;
	_ =	sdelay $0x3  }
0x4e: {  	s8 =	simm.s32 $0x8000;
	v3 =	vperm.xlane v3, v2  }
0x4f: {  	[tilespmem:s8], [sflag:$0x1] =	stream.indirect_vreg.gather [hbm4b:s1+s3], $0x80, v4, vm0, $0xb8;
	[tilespmem:$0x1A000] =	vst v63  }
0x50: {  	s9 =	simm.s32 $0x8800;
	v3 =	vadd.s32 v1, v3  }
0x51: {  	[tilespmem:s9], [sflag:$0x1] =	stream.indirect_vreg.gather [hbm4b:s6+s3], $0x80, v4, vm0, $0xb8;
	[tilespmem:$0x1A000] =	vst v63  }
0x52: {  	s16 =	simm.s32 $0x9000  }
0x53: {  	[tilespmem:s16], [sflag:$0x1] =	stream.indirect_vreg.gather [hbm4b:s7+s3], $0x80, v4, vm0, $0xb8;
	[tilespmem:$0x1A000] =	vst v63  }
0x54: {  	s8 =	simm.s32 $0x9800  }
0x55: {  	[tilespmem:s8], [sflag:$0x1] =	stream.indirect_vreg.gather [hbm4b:s1+s3], $0x80, v3, vm0, $0xb8;
	[tilespmem:$0x1A000] =	vst v63  }
0x56: {  	s9 =	simm.s32 $0xA000  }
0x57: {  	[tilespmem:s9], [sflag:$0x1] =	stream.indirect_vreg.gather [hbm4b:s6+s3], $0x80, v3, vm0, $0xb8;
	[tilespmem:$0x1A000] =	vst v63  }
0x58: {  	s16 =	simm.s32 $0xA800  }
0x59: {  	[tilespmem:s16], [sflag:$0x1] =	stream.indirect_vreg.gather [hbm4b:s7+s3], $0x80, v3, vm0, $0xb8;
	[tilespmem:$0x1A000] =	vst v63  }
0x5a: {  	v3 =	vld.msk [tilespmem:$0x1000], $0xff;
	_ =	sdelay $0x4  }
0x5b: {  	v59 =	vshrl.u32 v3, $0x3  }
0x5c: {  	v4 =	vmul.u32 $0x30, v59  }
0x5d: {  	v3 =	vand.u32 $0x7, v3  }
0x5e: {  	v3 =	vor.u32 v3, v4  }
0x5f: {  	v3 =	vperm.xlane v3, v0;
	_ =	sdelay $0x1  }
0x60: {  	v3 =	vadd.s32 v1, v3;
	_ =	sdelay $0x3  }
0x61: {  	s8 =	simm.s32 $0x17000  }
0x62: {  	[tilespmem:s8], [sflag:$0x1] =	stream.indirect_vreg.gather [hbm4b:s1+s3], $0x80, v3, vm0, $0xb8;
	[tilespmem:$0x1A000] =	vst v63  }
0x63: {  	s9 =	simm.s32 $0x17800  }
0x64: {  	[tilespmem:s9], [sflag:$0x1] =	stream.indirect_vreg.gather [hbm4b:s6+s3], $0x80, v3, vm0, $0xb8;
	[tilespmem:$0x1A000] =	vst v63  }
0x65: {  	s16 =	simm.s32 $0x18000  }
0x66: {  	[tilespmem:s16], [sflag:$0x1] =	stream.indirect_vreg.gather [hbm4b:s7+s3], $0x80, v3, vm0, $0xb8;
	[tilespmem:$0x1A000] =	vst v63  }
0x67: {  	v3 =	vld [tilespmem:$0x80];
	_ =	sdelay $0x4  }
0x68: {  	v60 =	vshrl.u32 v3, $0x3  }
0x69: {  	v4 =	vmul.u32 $0x30, v60  }
0x6a: {  	v3 =	vand.u32 $0x7, v3  }
0x6b: {  	v3 =	vor.u32 v3, v4  }
0x6c: {  	v4 =	vperm.xlane v3, v0;
	_ =	sdelay $0x1  }
0x6d: {  	v4 =	vadd.s32 v1, v4;
	_ =	sdelay $0x3  }
0x6e: {  	v3 =	vperm.xlane v3, v2  }
0x6f: {  	[tilespmem:s5], [sflag:$0x2] =	stream.indirect_vreg.gather [hbm4b:s1+s3], $0x80, v4, vm0, $0xb8;
	[tilespmem:$0x1A000] =	vst v63  }
0x70: {  	s8 =	simm.s32 $0xD000;
	v3 =	vadd.s32 v1, v3  }
0x71: {  	[tilespmem:s8], [sflag:$0x2] =	stream.indirect_vreg.gather [hbm4b:s6+s3], $0x80, v4, vm0, $0xb8;
	[tilespmem:$0x1A000] =	vst v63  }
0x72: {  	s9 =	simm.s32 $0xD800  }
0x73: {  	[tilespmem:s9], [sflag:$0x2] =	stream.indirect_vreg.gather [hbm4b:s7+s3], $0x80, v4, vm0, $0xb8;
	[tilespmem:$0x1A000] =	vst v63  }
0x74: {  	s16 =	simm.s32 $0xE000  }
0x75: {  	[tilespmem:s16], [sflag:$0x2] =	stream.indirect_vreg.gather [hbm4b:s1+s3], $0x80, v3, vm0, $0xb8;
	[tilespmem:$0x1A000] =	vst v63  }
0x76: {  	_ = 	snop  }
0x77: {  	[tilespmem:s17], [sflag:$0x2] =	stream.indirect_vreg.gather [hbm4b:s6+s3], $0x80, v3, vm0, $0xb8;
	[tilespmem:$0x1A000] =	vst v63  }
0x78: {  	_ = 	snop  }
0x79: {  	[tilespmem:s18], [sflag:$0x2] =	stream.indirect_vreg.gather [hbm4b:s7+s3], $0x80, v3, vm0, $0xb8;
	[tilespmem:$0x1A000] =	vst v63  }
0x7a: {  	v3 =	vld [tilespmem:$0x90];
	_ =	sdelay $0x4  }
0x7b: {  	v61 =	vshrl.u32 v3, $0x3  }
0x7c: {  	v4 =	vmul.u32 $0x30, v61  }
0x7d: {  	v3 =	vand.u32 $0x7, v3  }
0x7e: {  	v3 =	vor.u32 v3, v4  }
0x7f: {  	v4 =	vperm.xlane v3, v0;
	_ =	sdelay $0x1  }
0x80: {  	v4 =	vadd.s32 v1, v4;
	_ =	sdelay $0x3  }
0x81: {  	v3 =	vperm.xlane v3, v2  }
0x82: {  	[tilespmem:s19], [sflag:$0x2] =	stream.indirect_vreg.gather [hbm4b:s1+s3], $0x80, v4, vm0, $0xb8;
	[tilespmem:$0x1A000] =	vst v63  }
0x83: {  	v3 =	vadd.s32 v1, v3  }
0x84: {  	[tilespmem:s20], [sflag:$0x2] =	stream.indirect_vreg.gather [hbm4b:s6+s3], $0x80, v4, vm0, $0xb8;
	[tilespmem:$0x1A000] =	vst v63  }
0x85: {  	_ = 	snop  }
0x86: {  	[tilespmem:s21], [sflag:$0x2] =	stream.indirect_vreg.gather [hbm4b:s7+s3], $0x80, v4, vm0, $0xb8;
	[tilespmem:$0x1A000] =	vst v63  }
0x87: {  	_ = 	snop  }
0x88: {  	[tilespmem:s22], [sflag:$0x2] =	stream.indirect_vreg.gather [hbm4b:s1+s3], $0x80, v3, vm0, $0xb8;
	[tilespmem:$0x1A000] =	vst v63  }
0x89: {  	_ = 	snop  }
0x8a: {  	[tilespmem:s23], [sflag:$0x2] =	stream.indirect_vreg.gather [hbm4b:s6+s3], $0x80, v3, vm0, $0xb8;
	[tilespmem:$0x1A000] =	vst v63  }
0x8b: {  	_ = 	snop  }
0x8c: {  	[tilespmem:s24], [sflag:$0x2] =	stream.indirect_vreg.gather [hbm4b:s7+s3], $0x80, v3, vm0, $0xb8;
	[tilespmem:$0x1A000] =	vst v63  }
0x8d: {  	v3 =	vld [tilespmem:$0xA0];
	_ =	sdelay $0x4  }
0x8e: {  	v62 =	vshrl.u32 v3, $0x3  }
0x8f: {  	v4 =	vmul.u32 $0x30, v62  }
0x90: {  	v3 =	vand.u32 $0x7, v3  }
0x91: {  	v3 =	vor.u32 v3, v4  }
0x92: {  	v4 =	vperm.xlane v3, v0;
	_ =	sdelay $0x1  }
0x93: {  	v4 =	vadd.s32 v1, v4;
	_ =	sdelay $0x3  }
0x94: {  	v3 =	vperm.xlane v3, v2  }
0x95: {  	[tilespmem:s25], [sflag:$0x2] =	stream.indirect_vreg.gather [hbm4b:s1+s3], $0x80, v4, vm0, $0xb8;
	[tilespmem:$0x1A000] =	vst v63  }
0x96: {  	v3 =	vadd.s32 v1, v3  }
0x97: {  	[tilespmem:s26], [sflag:$0x2] =	stream.indirect_vreg.gather [hbm4b:s6+s3], $0x80, v4, vm0, $0xb8;
	[tilespmem:$0x1A000] =	vst v63  }
0x98: {  	_ = 	snop  }
0x99: {  	[tilespmem:s28], [sflag:$0x2] =	stream.indirect_vreg.gather [hbm4b:s7+s3], $0x80, v4, vm0, $0xb8;
	[tilespmem:$0x1A000] =	vst v63  }
0x9a: {  	_ = 	snop  }
0x9b: {  	[tilespmem:s29], [sflag:$0x2] =	stream.indirect_vreg.gather [hbm4b:s1+s3], $0x80, v3, vm0, $0xb8;
	[tilespmem:$0x1A000] =	vst v63  }
0x9c: {  	_ = 	snop  }
0x9d: {  	[tilespmem:s30], [sflag:$0x2] =	stream.indirect_vreg.gather [hbm4b:s6+s3], $0x80, v3, vm0, $0xb8;
	[tilespmem:$0x1A000] =	vst v63  }
0x9e: {  	_ = 	snop  }
0x9f: {  	[tilespmem:s10], [sflag:$0x2] =	stream.indirect_vreg.gather [hbm4b:s7+s3], $0x80, v3, vm0, $0xb8;
	[tilespmem:$0x1A000] =	vst v63  }
0xa0: {  	v3 =	vld.msk [tilespmem:$0x1080], $0xff;
	_ =	sdelay $0x4  }
0xa1: {  	v63 =	vshrl.u32 v3, $0x3  }
0xa2: {  	v4 =	vmul.u32 $0x30, v63  }
0xa3: {  	v3 =	vand.u32 $0x7, v3  }
0xa4: {  	v3 =	vor.u32 v3, v4  }
0xa5: {  	v3 =	vperm.xlane v3, v0;
	_ =	sdelay $0x1  }
0xa6: {  	v3 =	vadd.s32 v1, v3;
	_ =	sdelay $0x4  }
0xa7: {  	[tilespmem:s11], [sflag:$0x2] =	stream.indirect_vreg.gather [hbm4b:s1+s3], $0x80, v3, vm0, $0xb8;
	[tilespmem:$0x1A000] =	vst v63  }
0xa8: {  	_ = 	snop  }
0xa9: {  	[tilespmem:s12], [sflag:$0x2] =	stream.indirect_vreg.gather [hbm4b:s6+s3], $0x80, v3, vm0, $0xb8;
	[tilespmem:$0x1A000] =	vst v63  }
0xaa: {  	s4 =	rddreg [dreg:$0x9];
	s8 =	simm.s32 $0x0  }
0xab: {  	[tilespmem:s15], [sflag:$0x2] =	stream.indirect_vreg.gather [hbm4b:s7+s3], $0x80, v3, vm0, $0xb8;
	[tilespmem:$0x1A000] =	vst v63  }
.LBB2_2:
0xac: {  	_ =	swait.ge [sflag:s31], $0x9000  }
0xad: {  	[sflag:s31] =	ssyncset.done $0x0  }
0xae: {  	[sflag:s31] =	ssyncadd.s32 $0xFFFF7000  }
0xaf: {  	_ =	swait.ge [sflag:s31], $0x1800  }
0xb0: {  	[sflag:s31] =	ssyncset.done $0x0  }
0xb1: {  	[sflag:s31] =	ssyncadd.s32 $0xFFFFE800  }
0xb2: {  	v3 =	vld [tilespmem:$0x17000]  }
0xb3: {  	v4 =	vld [tilespmem:$0x17010]  }
0xb4: {  	v5 =	vld [tilespmem:$0x17020]  }
0xb5: {  	v6 =	vld [tilespmem:$0x17030]  }
0xb6: {  	v7 =	vld [tilespmem:$0x17040]  }
0xb7: {  	[tilespmem:$0xB000] =	vst v3;
	v3 =	vld [tilespmem:$0x17050]  }
0xb8: {  	v18 =	vld [tilespmem:$0x17060];
	[tilespmem:$0xB010] =	vst v4  }
0xb9: {  	v19 =	vld [tilespmem:$0x17070];
	[tilespmem:$0xB020] =	vst v5  }
0xba: {  	v20 =	vld [tilespmem:$0x17400];
	[tilespmem:$0xB030] =	vst v6  }
0xbb: {  	v21 =	vld [tilespmem:$0x17410];
	[tilespmem:$0xB040] =	vst v7  }
0xbc: {  	[tilespmem:$0xB050] =	vst v3;
	v3 =	vld [tilespmem:$0x17420]  }
0xbd: {  	v22 =	vld [tilespmem:$0x17430];
	[tilespmem:$0xB060] =	vst v18  }
0xbe: {  	v23 =	vld [tilespmem:$0x17440];
	[tilespmem:$0xB070] =	vst v19  }
0xbf: {  	v24 =	vld [tilespmem:$0x17450];
	[tilespmem:$0xB400] =	vst v20  }
0xc0: {  	v25 =	vld [tilespmem:$0x17460];
	[tilespmem:$0xB410] =	vst v21  }
0xc1: {  	[tilespmem:$0xB420] =	vst v3;
	v3 =	vld [tilespmem:$0x17470]  }
0xc2: {  	v26 =	vld [tilespmem:$0x17800];
	[tilespmem:$0xB430] =	vst v22  }
0xc3: {  	v27 =	vld [tilespmem:$0x17810];
	[tilespmem:$0xB440] =	vst v23  }
0xc4: {  	v28 =	vld [tilespmem:$0x17820];
	[tilespmem:$0xB450] =	vst v24  }
0xc5: {  	v29 =	vld [tilespmem:$0x17830];
	[tilespmem:$0xB460] =	vst v25  }
0xc6: {  	[tilespmem:$0xB470] =	vst v3;
	v3 =	vld [tilespmem:$0x17840]  }
0xc7: {  	v30 =	vld [tilespmem:$0x17850];
	[tilespmem:$0xB800] =	vst v26  }
0xc8: {  	v31 =	vld [tilespmem:$0x17860];
	[tilespmem:$0xB810] =	vst v27  }
0xc9: {  	v32 =	vld [tilespmem:$0x17870];
	[tilespmem:$0xB820] =	vst v28  }
0xca: {  	v33 =	vld [tilespmem:$0x17C00];
	[tilespmem:$0xB830] =	vst v29  }
0xcb: {  	[tilespmem:$0xB840] =	vst v3;
	v3 =	vld [tilespmem:$0x17C10]  }
0xcc: {  	v34 =	vld [tilespmem:$0x17C20];
	[tilespmem:$0xB850] =	vst v30  }
0xcd: {  	v35 =	vld [tilespmem:$0x17C30];
	[tilespmem:$0xB860] =	vst v31  }
0xce: {  	v36 =	vld [tilespmem:$0x17C40];
	[tilespmem:$0xB870] =	vst v32  }
0xcf: {  	v37 =	vld [tilespmem:$0x17C50];
	[tilespmem:$0xBC00] =	vst v33  }
0xd0: {  	[tilespmem:$0xBC10] =	vst v3;
	v3 =	vld [tilespmem:$0x17C60]  }
0xd1: {  	v38 =	vld [tilespmem:$0x17C70];
	[tilespmem:$0xBC20] =	vst v34  }
0xd2: {  	v39 =	vld [tilespmem:$0x18000];
	[tilespmem:$0xBC30] =	vst v35  }
0xd3: {  	v40 =	vld [tilespmem:$0x18010];
	[tilespmem:$0xBC40] =	vst v36  }
0xd4: {  	v41 =	vld [tilespmem:$0x18020];
	[tilespmem:$0xBC50] =	vst v37  }
0xd5: {  	[tilespmem:$0xBC60] =	vst v3;
	v3 =	vld [tilespmem:$0x18030]  }
0xd6: {  	v42 =	vld [tilespmem:$0x18040];
	[tilespmem:$0xBC70] =	vst v38  }
0xd7: {  	v43 =	vld [tilespmem:$0x18050];
	[tilespmem:$0xC000] =	vst v39  }
0xd8: {  	v44 =	vld [tilespmem:$0x18060];
	[tilespmem:$0xC010] =	vst v40  }
0xd9: {  	v45 =	vld [tilespmem:$0x18070];
	[tilespmem:$0xC020] =	vst v41  }
0xda: {  	[tilespmem:$0xC030] =	vst v3;
	v3 =	vld [tilespmem:$0x18400]  }
0xdb: {  	v46 =	vld [tilespmem:$0x18410];
	[tilespmem:$0xC040] =	vst v42  }
0xdc: {  	v47 =	vld [tilespmem:$0x18420];
	[tilespmem:$0xC050] =	vst v43  }
0xdd: {  	v48 =	vld [tilespmem:$0x18430];
	[tilespmem:$0xC060] =	vst v44  }
0xde: {  	v49 =	vld [tilespmem:$0x18440];
	[tilespmem:$0xC070] =	vst v45  }
0xdf: {  	[tilespmem:$0xC400] =	vst v3;
	v3 =	vld [tilespmem:$0x18450]  }
0xe0: {  	v50 =	vld [tilespmem:$0x18460];
	[tilespmem:$0xC410] =	vst v46  }
0xe1: {  	v51 =	vld [tilespmem:$0x18470];
	[tilespmem:$0xC420] =	vst v47  }
0xe2: {  	v52 =	vld [tilespmem:$0x17080];
	[tilespmem:$0xC430] =	vst v48  }
0xe3: {  	v53 =	vld [tilespmem:$0x17090];
	[tilespmem:$0xC440] =	vst v49  }
0xe4: {  	[tilespmem:$0xC450] =	vst v3;
	v3 =	vld [tilespmem:$0x170A0]  }
0xe5: {  	v54 =	vld [tilespmem:$0x170B0];
	[tilespmem:$0xC460] =	vst v50  }
0xe6: {  	v55 =	vld [tilespmem:$0x170C0];
	[tilespmem:$0xC470] =	vst v51  }
0xe7: {  	v56 =	vld [tilespmem:$0x170D0];
	[tilespmem:$0xB080] =	vst v52  }
0xe8: {  	v57 =	vld [tilespmem:$0x170E0];
	[tilespmem:$0xB090] =	vst v53  }
0xe9: {  	[tilespmem:$0xB0A0] =	vst v3;
	v3 =	vld [tilespmem:$0x170F0]  }
0xea: {  	v58 =	vld [tilespmem:$0x17480];
	[tilespmem:$0xB0B0] =	vst v54  }
0xeb: {  	v59 =	vld [tilespmem:$0x17490];
	[tilespmem:$0xB0C0] =	vst v55  }
0xec: {  	v60 =	vld [tilespmem:$0x174A0];
	[tilespmem:$0xB0D0] =	vst v56  }
0xed: {  	v61 =	vld [tilespmem:$0x174B0];
	[tilespmem:$0xB0E0] =	vst v57  }
0xee: {  	[tilespmem:$0xB0F0] =	vst v3;
	v3 =	vld [tilespmem:$0x174C0]  }
0xef: {  	v62 =	vld [tilespmem:$0x174D0];
	[tilespmem:$0xB480] =	vst v58  }
0xf0: {  	v63 =	vld [tilespmem:$0x174E0];
	[tilespmem:$0xB490] =	vst v59  }
0xf1: {  	v9 =	vld [tilespmem:$0x174F0];
	[tilespmem:$0xB4A0] =	vst v60  }
0xf2: {  	v10 =	vld [tilespmem:$0x17880];
	[tilespmem:$0xB4B0] =	vst v61  }
0xf3: {  	[tilespmem:$0xB4C0] =	vst v3;
	v3 =	vld [tilespmem:$0x17890]  }
0xf4: {  	v11 =	vld [tilespmem:$0x178A0];
	[tilespmem:$0xB4D0] =	vst v62  }
0xf5: {  	v12 =	vld [tilespmem:$0x178B0];
	[tilespmem:$0xB4E0] =	vst v63  }
0xf6: {  	v13 =	vld [tilespmem:$0x178C0];
	[tilespmem:$0xB4F0] =	vst v9  }
0xf7: {  	v14 =	vld [tilespmem:$0x178D0];
	[tilespmem:$0xB880] =	vst v10  }
0xf8: {  	[tilespmem:$0xB890] =	vst v3;
	v3 =	vld [tilespmem:$0x178E0]  }
0xf9: {  	v15 =	vld [tilespmem:$0x178F0];
	[tilespmem:$0xB8A0] =	vst v11  }
0xfa: {  	v16 =	vld [tilespmem:$0x17C80];
	[tilespmem:$0xB8B0] =	vst v12  }
0xfb: {  	v17 =	vld [tilespmem:$0x17C90];
	[tilespmem:$0xB8C0] =	vst v13  }
0xfc: {  	[tilespmem:$0xB8D0] =	vst v14;
	v18 =	vld [tilespmem:$0x17CA0]  }
0xfd: {  	[tilespmem:$0xB8E0] =	vst v3;
	v3 =	vld [tilespmem:$0x17CB0]  }
0xfe: {  	[tilespmem:$0xB8F0] =	vst v15;
	v19 =	vld [tilespmem:$0x17CC0]  }
0xff: {  	[tilespmem:$0xBC80] =	vst v16;
	v20 =	vld [tilespmem:$0x17CD0]  }
0x100: {  	[tilespmem:$0xBC90] =	vst v17;
	v21 =	vld [tilespmem:$0x17CE0]  }
0x101: {  	v22 =	vld [tilespmem:$0x17CF0];
	[tilespmem:$0xBCA0] =	vst v18  }
0x102: {  	[tilespmem:$0xBCB0] =	vst v3;
	v3 =	vld [tilespmem:$0x18080]  }
0x103: {  	v23 =	vld [tilespmem:$0x18090];
	[tilespmem:$0xBCC0] =	vst v19  }
0x104: {  	v24 =	vld [tilespmem:$0x180A0];
	[tilespmem:$0xBCD0] =	vst v20  }
0x105: {  	v25 =	vld [tilespmem:$0x180B0];
	[tilespmem:$0xBCE0] =	vst v21  }
0x106: {  	v26 =	vld [tilespmem:$0x180C0];
	[tilespmem:$0xBCF0] =	vst v22  }
0x107: {  	[tilespmem:$0xC080] =	vst v3;
	v3 =	vld [tilespmem:$0x180D0]  }
0x108: {  	v27 =	vld [tilespmem:$0x180E0];
	[tilespmem:$0xC090] =	vst v23  }
0x109: {  	v28 =	vld [tilespmem:$0x180F0];
	[tilespmem:$0xC0A0] =	vst v24  }
0x10a: {  	v29 =	vld [tilespmem:$0x18480];
	[tilespmem:$0xC0B0] =	vst v25  }
0x10b: {  	v30 =	vld [tilespmem:$0x18490];
	[tilespmem:$0xC0C0] =	vst v26  }
0x10c: {  	[tilespmem:$0xC0D0] =	vst v3;
	v3 =	vld [tilespmem:$0x184A0]  }
0x10d: {  	v31 =	vld [tilespmem:$0x184B0];
	[tilespmem:$0xC0E0] =	vst v27  }
0x10e: {  	v32 =	vld [tilespmem:$0x184C0];
	[tilespmem:$0xC0F0] =	vst v28  }
0x10f: {  	v33 =	vld [tilespmem:$0x184D0];
	[tilespmem:$0xC480] =	vst v29  }
0x110: {  	v34 =	vld [tilespmem:$0x184E0];
	[tilespmem:$0xC490] =	vst v30  }
0x111: {  	[tilespmem:$0xC4A0] =	vst v3;
	v3 =	vld [tilespmem:$0x184F0]  }
0x112: {  	[tilespmem:$0xC4B0] =	vst v31  }
0x113: {  	[tilespmem:$0xC4C0] =	vst v32  }
0x114: {  	[tilespmem:$0xC4D0] =	vst v33  }
0x115: {  	[tilespmem:$0xC4E0] =	vst v34  }
0x116: {  	s9 =	sadd.s32 $0xFFFFEB00, s4;
	[tilespmem:$0xC4F0] =	vst v3  }
0x117: {  	[hbm4b:s9+s3] =	stream.linear.scatter [tilespmem:s14], [sflag:$0x3], $0xA800, $0x38;
	[tilespmem:$0x1A000] =	vst v63  }
0x118: {  	_ =	swait.ge [sflag:s2], $0x9000  }
0x119: {  	[sflag:s2] =	ssyncset.done $0x0  }
0x11a: {  	[sflag:s2] =	ssyncadd.s32 $0xFFFF7000  }
0x11b: {  	_ =	swait.ge [sflag:s2], $0x1800  }
0x11c: {  	[sflag:s2] =	ssyncset.done $0x0  }
0x11d: {  	[sflag:s2] =	ssyncadd.s32 $0xFFFFE800  }
0x11e: {  	v3 =	vld [tilespmem:$0x18800]  }
0x11f: {  	v35 =	vld [tilespmem:$0x18810]  }
0x120: {  	v36 =	vld [tilespmem:$0x18820]  }
0x121: {  	v37 =	vld [tilespmem:$0x18830]  }
0x122: {  	v38 =	vld [tilespmem:$0x18840]  }
0x123: {  	[tilespmem:$0x15800] =	vst v3;
	v3 =	vld [tilespmem:$0x18850]  }
0x124: {  	v39 =	vld [tilespmem:$0x18860];
	[tilespmem:$0x15810] =	vst v35  }
0x125: {  	v40 =	vld [tilespmem:$0x18870];
	[tilespmem:$0x15820] =	vst v36  }
0x126: {  	v41 =	vld [tilespmem:$0x18C00];
	[tilespmem:$0x15830] =	vst v37  }
0x127: {  	v42 =	vld [tilespmem:$0x18C10];
	[tilespmem:$0x15840] =	vst v38  }
0x128: {  	[tilespmem:$0x15850] =	vst v3;
	v3 =	vld [tilespmem:$0x18C20]  }
0x129: {  	v43 =	vld [tilespmem:$0x18C30];
	[tilespmem:$0x15860] =	vst v39  }
0x12a: {  	v44 =	vld [tilespmem:$0x18C40];
	[tilespmem:$0x15870] =	vst v40  }
0x12b: {  	v45 =	vld [tilespmem:$0x18C50];
	[tilespmem:$0x15C00] =	vst v41  }
0x12c: {  	v46 =	vld [tilespmem:$0x18C60];
	[tilespmem:$0x15C10] =	vst v42  }
0x12d: {  	[tilespmem:$0x15C20] =	vst v3;
	v3 =	vld [tilespmem:$0x18C70]  }
0x12e: {  	v47 =	vld [tilespmem:$0x19000];
	[tilespmem:$0x15C30] =	vst v43  }
0x12f: {  	v48 =	vld [tilespmem:$0x19010];
	[tilespmem:$0x15C40] =	vst v44  }
0x130: {  	v49 =	vld [tilespmem:$0x19020];
	[tilespmem:$0x15C50] =	vst v45  }
0x131: {  	v50 =	vld [tilespmem:$0x19030];
	[tilespmem:$0x15C60] =	vst v46  }
0x132: {  	[tilespmem:$0x15C70] =	vst v3;
	v3 =	vld [tilespmem:$0x19040]  }
0x133: {  	v51 =	vld [tilespmem:$0x19050];
	[tilespmem:$0x16000] =	vst v47  }
0x134: {  	v52 =	vld [tilespmem:$0x19060];
	[tilespmem:$0x16010] =	vst v48  }
0x135: {  	v53 =	vld [tilespmem:$0x19070];
	[tilespmem:$0x16020] =	vst v49  }
0x136: {  	v54 =	vld [tilespmem:$0x19400];
	[tilespmem:$0x16030] =	vst v50  }
0x137: {  	[tilespmem:$0x16040] =	vst v3;
	v3 =	vld [tilespmem:$0x19410]  }
0x138: {  	v55 =	vld [tilespmem:$0x19420];
	[tilespmem:$0x16050] =	vst v51  }
0x139: {  	v56 =	vld [tilespmem:$0x19430];
	[tilespmem:$0x16060] =	vst v52  }
0x13a: {  	v57 =	vld [tilespmem:$0x19440];
	[tilespmem:$0x16070] =	vst v53  }
0x13b: {  	v58 =	vld [tilespmem:$0x19450];
	[tilespmem:$0x16400] =	vst v54  }
0x13c: {  	[tilespmem:$0x16410] =	vst v3;
	v3 =	vld [tilespmem:$0x19460]  }
0x13d: {  	v59 =	vld [tilespmem:$0x19470];
	[tilespmem:$0x16420] =	vst v55  }
0x13e: {  	v60 =	vld [tilespmem:$0x19800];
	[tilespmem:$0x16430] =	vst v56  }
0x13f: {  	v61 =	vld [tilespmem:$0x19810];
	[tilespmem:$0x16440] =	vst v57  }
0x140: {  	v62 =	vld [tilespmem:$0x19820];
	[tilespmem:$0x16450] =	vst v58  }
0x141: {  	[tilespmem:$0x16460] =	vst v3;
	v3 =	vld [tilespmem:$0x19830]  }
0x142: {  	v63 =	vld [tilespmem:$0x19840];
	[tilespmem:$0x16470] =	vst v59  }
0x143: {  	v9 =	vld [tilespmem:$0x19850];
	[tilespmem:$0x16800] =	vst v60  }
0x144: {  	v10 =	vld [tilespmem:$0x19860];
	[tilespmem:$0x16810] =	vst v61  }
0x145: {  	v11 =	vld [tilespmem:$0x19870];
	[tilespmem:$0x16820] =	vst v62  }
0x146: {  	[tilespmem:$0x16830] =	vst v3;
	v3 =	vld [tilespmem:$0x19C00]  }
0x147: {  	v12 =	vld [tilespmem:$0x19C10];
	[tilespmem:$0x16840] =	vst v63  }
0x148: {  	v13 =	vld [tilespmem:$0x19C20];
	[tilespmem:$0x16850] =	vst v9  }
0x149: {  	v14 =	vld [tilespmem:$0x19C30];
	[tilespmem:$0x16860] =	vst v10  }
0x14a: {  	v15 =	vld [tilespmem:$0x19C40];
	[tilespmem:$0x16870] =	vst v11  }
0x14b: {  	[tilespmem:$0x16C00] =	vst v3;
	v3 =	vld [tilespmem:$0x19C50]  }
0x14c: {  	v16 =	vld [tilespmem:$0x19C60];
	[tilespmem:$0x16C10] =	vst v12  }
0x14d: {  	v17 =	vld [tilespmem:$0x19C70];
	[tilespmem:$0x16C20] =	vst v13  }
0x14e: {  	v18 =	vld [tilespmem:$0x18880];
	[tilespmem:$0x16C30] =	vst v14  }
0x14f: {  	v19 =	vld [tilespmem:$0x18890];
	[tilespmem:$0x16C40] =	vst v15  }
0x150: {  	[tilespmem:$0x16C50] =	vst v3;
	v3 =	vld [tilespmem:$0x188A0]  }
0x151: {  	v20 =	vld [tilespmem:$0x188B0];
	[tilespmem:$0x16C60] =	vst v16  }
0x152: {  	v21 =	vld [tilespmem:$0x188C0];
	[tilespmem:$0x16C70] =	vst v17  }
0x153: {  	v22 =	vld [tilespmem:$0x188D0];
	[tilespmem:$0x15880] =	vst v18  }
0x154: {  	v23 =	vld [tilespmem:$0x188E0];
	[tilespmem:$0x15890] =	vst v19  }
0x155: {  	[tilespmem:$0x158A0] =	vst v3;
	v3 =	vld [tilespmem:$0x188F0]  }
0x156: {  	v24 =	vld [tilespmem:$0x18C80];
	[tilespmem:$0x158B0] =	vst v20  }
0x157: {  	v25 =	vld [tilespmem:$0x18C90];
	[tilespmem:$0x158C0] =	vst v21  }
0x158: {  	v26 =	vld [tilespmem:$0x18CA0];
	[tilespmem:$0x158D0] =	vst v22  }
0x159: {  	v27 =	vld [tilespmem:$0x18CB0];
	[tilespmem:$0x158E0] =	vst v23  }
0x15a: {  	[tilespmem:$0x158F0] =	vst v3;
	v3 =	vld [tilespmem:$0x18CC0]  }
0x15b: {  	v28 =	vld [tilespmem:$0x18CD0];
	[tilespmem:$0x15C80] =	vst v24  }
0x15c: {  	v29 =	vld [tilespmem:$0x18CE0];
	[tilespmem:$0x15C90] =	vst v25  }
0x15d: {  	v30 =	vld [tilespmem:$0x18CF0];
	[tilespmem:$0x15CA0] =	vst v26  }
0x15e: {  	v31 =	vld [tilespmem:$0x19080];
	[tilespmem:$0x15CB0] =	vst v27  }
0x15f: {  	[tilespmem:$0x15CC0] =	vst v3;
	v3 =	vld [tilespmem:$0x19090]  }
0x160: {  	v32 =	vld [tilespmem:$0x190A0];
	[tilespmem:$0x15CD0] =	vst v28  }
0x161: {  	v33 =	vld [tilespmem:$0x190B0];
	[tilespmem:$0x15CE0] =	vst v29  }
0x162: {  	v34 =	vld [tilespmem:$0x190C0];
	[tilespmem:$0x15CF0] =	vst v30  }
0x163: {  	[tilespmem:$0x16080] =	vst v31;
	v35 =	vld [tilespmem:$0x190D0]  }
0x164: {  	[tilespmem:$0x16090] =	vst v3;
	v3 =	vld [tilespmem:$0x190E0]  }
0x165: {  	[tilespmem:$0x160A0] =	vst v32;
	v36 =	vld [tilespmem:$0x190F0]  }
0x166: {  	[tilespmem:$0x160B0] =	vst v33;
	v37 =	vld [tilespmem:$0x19480]  }
0x167: {  	[tilespmem:$0x160C0] =	vst v34;
	v38 =	vld [tilespmem:$0x19490]  }
0x168: {  	v39 =	vld [tilespmem:$0x194A0];
	[tilespmem:$0x160D0] =	vst v35  }
0x169: {  	[tilespmem:$0x160E0] =	vst v3;
	v3 =	vld [tilespmem:$0x194B0]  }
0x16a: {  	v40 =	vld [tilespmem:$0x194C0];
	[tilespmem:$0x160F0] =	vst v36  }
0x16b: {  	v41 =	vld [tilespmem:$0x194D0];
	[tilespmem:$0x16480] =	vst v37  }
0x16c: {  	v42 =	vld [tilespmem:$0x194E0];
	[tilespmem:$0x16490] =	vst v38  }
0x16d: {  	v43 =	vld [tilespmem:$0x194F0];
	[tilespmem:$0x164A0] =	vst v39  }
0x16e: {  	[tilespmem:$0x164B0] =	vst v3;
	v3 =	vld [tilespmem:$0x19880]  }
0x16f: {  	v44 =	vld [tilespmem:$0x19890];
	[tilespmem:$0x164C0] =	vst v40  }
0x170: {  	v45 =	vld [tilespmem:$0x198A0];
	[tilespmem:$0x164D0] =	vst v41  }
0x171: {  	v46 =	vld [tilespmem:$0x198B0];
	[tilespmem:$0x164E0] =	vst v42  }
0x172: {  	v47 =	vld [tilespmem:$0x198C0];
	[tilespmem:$0x164F0] =	vst v43  }
0x173: {  	[tilespmem:$0x16880] =	vst v3;
	v3 =	vld [tilespmem:$0x198D0]  }
0x174: {  	v48 =	vld [tilespmem:$0x198E0];
	[tilespmem:$0x16890] =	vst v44  }
0x175: {  	v49 =	vld [tilespmem:$0x198F0];
	[tilespmem:$0x168A0] =	vst v45  }
0x176: {  	v50 =	vld [tilespmem:$0x19C80];
	[tilespmem:$0x168B0] =	vst v46  }
0x177: {  	v51 =	vld [tilespmem:$0x19C90];
	[tilespmem:$0x168C0] =	vst v47  }
0x178: {  	[tilespmem:$0x168D0] =	vst v3;
	v3 =	vld [tilespmem:$0x19CA0]  }
0x179: {  	v52 =	vld [tilespmem:$0x19CB0];
	[tilespmem:$0x168E0] =	vst v48  }
0x17a: {  	v53 =	vld [tilespmem:$0x19CC0];
	[tilespmem:$0x168F0] =	vst v49  }
0x17b: {  	v54 =	vld [tilespmem:$0x19CD0];
	[tilespmem:$0x16C80] =	vst v50  }
0x17c: {  	v55 =	vld [tilespmem:$0x19CE0];
	[tilespmem:$0x16C90] =	vst v51  }
0x17d: {  	[tilespmem:$0x16CA0] =	vst v3;
	v3 =	vld [tilespmem:$0x19CF0]  }
0x17e: {  	[tilespmem:$0x16CB0] =	vst v52  }
0x17f: {  	[tilespmem:$0x16CC0] =	vst v53  }
0x180: {  	[tilespmem:$0x16CD0] =	vst v54  }
0x181: {  	[tilespmem:$0x16CE0] =	vst v55  }
0x182: {  	[tilespmem:$0x16CF0] =	vst v3  }
0x183: {  	[hbm4b:s4+s3] =	stream.linear.scatter [tilespmem:s5], [sflag:$0x4], $0xA800, $0x38;
	[tilespmem:$0x1A000] =	vst v63  }
0x184: {  	_ =	swait.ge [sflag:s0], $0xA800  }
0x185: {  	[sflag:s0] =	ssyncset.done $0x0  }
0x186: {  	s9 =	sshra.s32 s8, $0x2;
	[sflag:s0] =	ssyncadd.s32 $0xFFFF5800  }
0x187: {  	v3 =	vld [tilespmem:s9+$0x100];
	_ =	sdelay $0x4  }
0x188: {  	v56 =	vshrl.u32 v3, $0x3  }
0x189: {  	v4 =	vmul.u32 $0x30, v56  }
0x18a: {  	v3 =	vand.u32 $0x7, v3  }
0x18b: {  	v3 =	vor.u32 v3, v4  }
0x18c: {  	v4 =	vperm.xlane v3, v0;
	_ =	sdelay $0x1  }
0x18d: {  	v4 =	vadd.s32 v1, v4;
	_ =	sdelay $0x3  }
0x18e: {  	v3 =	vperm.xlane v3, v2  }
0x18f: {  	[tilespmem:s14], [sflag:$0x1] =	stream.indirect_vreg.gather [hbm4b:s1+s3], $0x80, v4, vm0, $0xb8;
	[tilespmem:$0x1A000] =	vst v63  }
0x190: {  	s16 =	simm.s32 $0x2800;
	v3 =	vadd.s32 v1, v3  }
0x191: {  	[tilespmem:s16], [sflag:$0x1] =	stream.indirect_vreg.gather [hbm4b:s6+s3], $0x80, v4, vm0, $0xb8;
	[tilespmem:$0x1A000] =	vst v63  }
0x192: {  	s16 =	simm.s32 $0x3000  }
0x193: {  	[tilespmem:s16], [sflag:$0x1] =	stream.indirect_vreg.gather [hbm4b:s7+s3], $0x80, v4, vm0, $0xb8;
	[tilespmem:$0x1A000] =	vst v63  }
0x194: {  	s16 =	simm.s32 $0x3800  }
0x195: {  	[tilespmem:s16], [sflag:$0x1] =	stream.indirect_vreg.gather [hbm4b:s1+s3], $0x80, v3, vm0, $0xb8;
	[tilespmem:$0x1A000] =	vst v63  }
0x196: {  	s16 =	simm.s32 $0x4000  }
0x197: {  	[tilespmem:s16], [sflag:$0x1] =	stream.indirect_vreg.gather [hbm4b:s6+s3], $0x80, v3, vm0, $0xb8;
	[tilespmem:$0x1A000] =	vst v63  }
0x198: {  	s16 =	simm.s32 $0x4800  }
0x199: {  	[tilespmem:s16], [sflag:$0x1] =	stream.indirect_vreg.gather [hbm4b:s7+s3], $0x80, v3, vm0, $0xb8;
	[tilespmem:$0x1A000] =	vst v63  }
0x19a: {  	v3 =	vld [tilespmem:s9+$0x110];
	_ =	sdelay $0x4  }
0x19b: {  	v57 =	vshrl.u32 v3, $0x3  }
0x19c: {  	v4 =	vmul.u32 $0x30, v57  }
0x19d: {  	v3 =	vand.u32 $0x7, v3  }
0x19e: {  	v3 =	vor.u32 v3, v4  }
0x19f: {  	v4 =	vperm.xlane v3, v0;
	_ =	sdelay $0x1  }
0x1a0: {  	v4 =	vadd.s32 v1, v4;
	_ =	sdelay $0x3  }
0x1a1: {  	s16 =	simm.s32 $0x5000;
	v3 =	vperm.xlane v3, v2  }
0x1a2: {  	[tilespmem:s16], [sflag:$0x1] =	stream.indirect_vreg.gather [hbm4b:s1+s3], $0x80, v4, vm0, $0xb8;
	[tilespmem:$0x1A000] =	vst v63  }
0x1a3: {  	v3 =	vadd.s32 v1, v3;
	s16 =	simm.s32 $0x5800  }
0x1a4: {  	[tilespmem:s16], [sflag:$0x1] =	stream.indirect_vreg.gather [hbm4b:s6+s3], $0x80, v4, vm0, $0xb8;
	[tilespmem:$0x1A000] =	vst v63  }
0x1a5: {  	s16 =	simm.s32 $0x6000  }
0x1a6: {  	[tilespmem:s16], [sflag:$0x1] =	stream.indirect_vreg.gather [hbm4b:s7+s3], $0x80, v4, vm0, $0xb8;
	[tilespmem:$0x1A000] =	vst v63  }
0x1a7: {  	s16 =	simm.s32 $0x6800  }
0x1a8: {  	[tilespmem:s16], [sflag:$0x1] =	stream.indirect_vreg.gather [hbm4b:s1+s3], $0x80, v3, vm0, $0xb8;
	[tilespmem:$0x1A000] =	vst v63  }
0x1a9: {  	s16 =	simm.s32 $0x7000  }
0x1aa: {  	[tilespmem:s16], [sflag:$0x1] =	stream.indirect_vreg.gather [hbm4b:s6+s3], $0x80, v3, vm0, $0xb8;
	[tilespmem:$0x1A000] =	vst v63  }
0x1ab: {  	s16 =	simm.s32 $0x7800  }
0x1ac: {  	[tilespmem:s16], [sflag:$0x1] =	stream.indirect_vreg.gather [hbm4b:s7+s3], $0x80, v3, vm0, $0xb8;
	[tilespmem:$0x1A000] =	vst v63  }
0x1ad: {  	v3 =	vld [tilespmem:s9+$0x120];
	_ =	sdelay $0x4  }
0x1ae: {  	v58 =	vshrl.u32 v3, $0x3  }
0x1af: {  	v4 =	vmul.u32 $0x30, v58  }
0x1b0: {  	v3 =	vand.u32 $0x7, v3  }
0x1b1: {  	v3 =	vor.u32 v3, v4  }
0x1b2: {  	v4 =	vperm.xlane v3, v0;
	_ =	sdelay $0x1  }
0x1b3: {  	v4 =	vadd.s32 v1, v4;
	_ =	sdelay $0x3  }
0x1b4: {  	s16 =	simm.s32 $0x8000;
	v3 =	vperm.xlane v3, v2  }
0x1b5: {  	[tilespmem:s16], [sflag:$0x1] =	stream.indirect_vreg.gather [hbm4b:s1+s3], $0x80, v4, vm0, $0xb8;
	[tilespmem:$0x1A000] =	vst v63  }
0x1b6: {  	v3 =	vadd.s32 v1, v3;
	s16 =	simm.s32 $0x8800  }
0x1b7: {  	[tilespmem:s16], [sflag:$0x1] =	stream.indirect_vreg.gather [hbm4b:s6+s3], $0x80, v4, vm0, $0xb8;
	[tilespmem:$0x1A000] =	vst v63  }
0x1b8: {  	s16 =	simm.s32 $0x9000  }
0x1b9: {  	[tilespmem:s16], [sflag:$0x1] =	stream.indirect_vreg.gather [hbm4b:s7+s3], $0x80, v4, vm0, $0xb8;
	[tilespmem:$0x1A000] =	vst v63  }
0x1ba: {  	s16 =	simm.s32 $0x9800  }
0x1bb: {  	[tilespmem:s16], [sflag:$0x1] =	stream.indirect_vreg.gather [hbm4b:s1+s3], $0x80, v3, vm0, $0xb8;
	[tilespmem:$0x1A000] =	vst v63  }
0x1bc: {  	s16 =	simm.s32 $0xA000  }
0x1bd: {  	[tilespmem:s16], [sflag:$0x1] =	stream.indirect_vreg.gather [hbm4b:s6+s3], $0x80, v3, vm0, $0xb8;
	[tilespmem:$0x1A000] =	vst v63  }
0x1be: {  	s16 =	simm.s32 $0xA800  }
0x1bf: {  	[tilespmem:s16], [sflag:$0x1] =	stream.indirect_vreg.gather [hbm4b:s7+s3], $0x80, v3, vm0, $0xb8;
	[tilespmem:$0x1A000] =	vst v63  }
0x1c0: {  	v3 =	vld.msk [tilespmem:s9+$0x1100], $0xff;
	_ =	sdelay $0x4  }
0x1c1: {  	v59 =	vshrl.u32 v3, $0x3  }
0x1c2: {  	v4 =	vmul.u32 $0x30, v59  }
0x1c3: {  	v3 =	vand.u32 $0x7, v3  }
0x1c4: {  	v3 =	vor.u32 v3, v4  }
0x1c5: {  	v3 =	vperm.xlane v3, v0;
	_ =	sdelay $0x1  }
0x1c6: {  	v3 =	vadd.s32 v1, v3;
	_ =	sdelay $0x3  }
0x1c7: {  	s16 =	simm.s32 $0x17000  }
0x1c8: {  	[tilespmem:s16], [sflag:$0x1] =	stream.indirect_vreg.gather [hbm4b:s1+s3], $0x80, v3, vm0, $0xb8;
	[tilespmem:$0x1A000] =	vst v63  }
0x1c9: {  	s16 =	simm.s32 $0x17800  }
0x1ca: {  	[tilespmem:s16], [sflag:$0x1] =	stream.indirect_vreg.gather [hbm4b:s6+s3], $0x80, v3, vm0, $0xb8;
	[tilespmem:$0x1A000] =	vst v63  }
0x1cb: {  	s16 =	simm.s32 $0x18000  }
0x1cc: {  	[tilespmem:s16], [sflag:$0x1] =	stream.indirect_vreg.gather [hbm4b:s7+s3], $0x80, v3, vm0, $0xb8;
	[tilespmem:$0x1A000] =	vst v63  }
0x1cd: {  	_ =	swait.ge [sflag:s13], $0xA800  }
0x1ce: {  	[sflag:s13] =	ssyncset.done $0x0  }
0x1cf: {  	[sflag:s13] =	ssyncadd.s32 $0xFFFF5800  }
0x1d0: {  	v3 =	vld [tilespmem:s9+$0x180];
	_ =	sdelay $0x4  }
0x1d1: {  	v60 =	vshrl.u32 v3, $0x3  }
0x1d2: {  	v4 =	vmul.u32 $0x30, v60  }
0x1d3: {  	v3 =	vand.u32 $0x7, v3  }
0x1d4: {  	v3 =	vor.u32 v3, v4  }
0x1d5: {  	v4 =	vperm.xlane v3, v0;
	_ =	sdelay $0x1  }
0x1d6: {  	v4 =	vadd.s32 v1, v4;
	_ =	sdelay $0x3  }
0x1d7: {  	v3 =	vperm.xlane v3, v2  }
0x1d8: {  	[tilespmem:s5], [sflag:$0x2] =	stream.indirect_vreg.gather [hbm4b:s1+s3], $0x80, v4, vm0, $0xb8;
	[tilespmem:$0x1A000] =	vst v63  }
0x1d9: {  	s16 =	simm.s32 $0xD000;
	v3 =	vadd.s32 v1, v3  }
0x1da: {  	[tilespmem:s16], [sflag:$0x2] =	stream.indirect_vreg.gather [hbm4b:s6+s3], $0x80, v4, vm0, $0xb8;
	[tilespmem:$0x1A000] =	vst v63  }
0x1db: {  	s16 =	simm.s32 $0xD800  }
0x1dc: {  	[tilespmem:s16], [sflag:$0x2] =	stream.indirect_vreg.gather [hbm4b:s7+s3], $0x80, v4, vm0, $0xb8;
	[tilespmem:$0x1A000] =	vst v63  }
0x1dd: {  	s16 =	simm.s32 $0xE000  }
0x1de: {  	[tilespmem:s16], [sflag:$0x2] =	stream.indirect_vreg.gather [hbm4b:s1+s3], $0x80, v3, vm0, $0xb8;
	[tilespmem:$0x1A000] =	vst v63  }
0x1df: {  	_ = 	snop  }
0x1e0: {  	[tilespmem:s17], [sflag:$0x2] =	stream.indirect_vreg.gather [hbm4b:s6+s3], $0x80, v3, vm0, $0xb8;
	[tilespmem:$0x1A000] =	vst v63  }
0x1e1: {  	_ = 	snop  }
0x1e2: {  	[tilespmem:s18], [sflag:$0x2] =	stream.indirect_vreg.gather [hbm4b:s7+s3], $0x80, v3, vm0, $0xb8;
	[tilespmem:$0x1A000] =	vst v63  }
0x1e3: {  	v3 =	vld [tilespmem:s9+$0x190];
	_ =	sdelay $0x4  }
0x1e4: {  	v61 =	vshrl.u32 v3, $0x3  }
0x1e5: {  	v4 =	vmul.u32 $0x30, v61  }
0x1e6: {  	v3 =	vand.u32 $0x7, v3  }
0x1e7: {  	v3 =	vor.u32 v3, v4  }
0x1e8: {  	v4 =	vperm.xlane v3, v0;
	_ =	sdelay $0x1  }
0x1e9: {  	v4 =	vadd.s32 v1, v4;
	_ =	sdelay $0x3  }
0x1ea: {  	v3 =	vperm.xlane v3, v2  }
0x1eb: {  	[tilespmem:s19], [sflag:$0x2] =	stream.indirect_vreg.gather [hbm4b:s1+s3], $0x80, v4, vm0, $0xb8;
	[tilespmem:$0x1A000] =	vst v63  }
0x1ec: {  	v3 =	vadd.s32 v1, v3  }
0x1ed: {  	[tilespmem:s20], [sflag:$0x2] =	stream.indirect_vreg.gather [hbm4b:s6+s3], $0x80, v4, vm0, $0xb8;
	[tilespmem:$0x1A000] =	vst v63  }
0x1ee: {  	_ = 	snop  }
0x1ef: {  	[tilespmem:s21], [sflag:$0x2] =	stream.indirect_vreg.gather [hbm4b:s7+s3], $0x80, v4, vm0, $0xb8;
	[tilespmem:$0x1A000] =	vst v63  }
0x1f0: {  	_ = 	snop  }
0x1f1: {  	[tilespmem:s22], [sflag:$0x2] =	stream.indirect_vreg.gather [hbm4b:s1+s3], $0x80, v3, vm0, $0xb8;
	[tilespmem:$0x1A000] =	vst v63  }
0x1f2: {  	_ = 	snop  }
0x1f3: {  	[tilespmem:s23], [sflag:$0x2] =	stream.indirect_vreg.gather [hbm4b:s6+s3], $0x80, v3, vm0, $0xb8;
	[tilespmem:$0x1A000] =	vst v63  }
0x1f4: {  	_ = 	snop  }
0x1f5: {  	[tilespmem:s24], [sflag:$0x2] =	stream.indirect_vreg.gather [hbm4b:s7+s3], $0x80, v3, vm0, $0xb8;
	[tilespmem:$0x1A000] =	vst v63  }
0x1f6: {  	v3 =	vld [tilespmem:s9+$0x1A0];
	_ =	sdelay $0x4  }
0x1f7: {  	v62 =	vshrl.u32 v3, $0x3  }
0x1f8: {  	v4 =	vmul.u32 $0x30, v62  }
0x1f9: {  	v3 =	vand.u32 $0x7, v3  }
0x1fa: {  	v3 =	vor.u32 v3, v4  }
0x1fb: {  	v4 =	vperm.xlane v3, v0;
	_ =	sdelay $0x1  }
0x1fc: {  	v4 =	vadd.s32 v1, v4;
	_ =	sdelay $0x3  }
0x1fd: {  	v3 =	vperm.xlane v3, v2  }
0x1fe: {  	[tilespmem:s25], [sflag:$0x2] =	stream.indirect_vreg.gather [hbm4b:s1+s3], $0x80, v4, vm0, $0xb8;
	[tilespmem:$0x1A000] =	vst v63  }
0x1ff: {  	v3 =	vadd.s32 v1, v3  }
0x200: {  	[tilespmem:s26], [sflag:$0x2] =	stream.indirect_vreg.gather [hbm4b:s6+s3], $0x80, v4, vm0, $0xb8;
	[tilespmem:$0x1A000] =	vst v63  }
0x201: {  	_ = 	snop  }
0x202: {  	[tilespmem:s28], [sflag:$0x2] =	stream.indirect_vreg.gather [hbm4b:s7+s3], $0x80, v4, vm0, $0xb8;
	[tilespmem:$0x1A000] =	vst v63  }
0x203: {  	_ = 	snop  }
0x204: {  	[tilespmem:s29], [sflag:$0x2] =	stream.indirect_vreg.gather [hbm4b:s1+s3], $0x80, v3, vm0, $0xb8;
	[tilespmem:$0x1A000] =	vst v63  }
0x205: {  	_ = 	snop  }
0x206: {  	[tilespmem:s30], [sflag:$0x2] =	stream.indirect_vreg.gather [hbm4b:s6+s3], $0x80, v3, vm0, $0xb8;
	[tilespmem:$0x1A000] =	vst v63  }
0x207: {  	_ = 	snop  }
0x208: {  	[tilespmem:s10], [sflag:$0x2] =	stream.indirect_vreg.gather [hbm4b:s7+s3], $0x80, v3, vm0, $0xb8;
	[tilespmem:$0x1A000] =	vst v63  }
0x209: {  	v3 =	vld.msk [tilespmem:s9+$0x1180], $0xff;
	_ =	sdelay $0x4  }
0x20a: {  	v63 =	vshrl.u32 v3, $0x3  }
0x20b: {  	v4 =	vmul.u32 $0x30, v63  }
0x20c: {  	v3 =	vand.u32 $0x7, v3  }
0x20d: {  	v3 =	vor.u32 v3, v4  }
0x20e: {  	v3 =	vperm.xlane v3, v0;
	_ =	sdelay $0x1  }
0x20f: {  	v3 =	vadd.s32 v1, v3;
	_ =	sdelay $0x3  }
0x210: {  	p0 =	sne.s32 s8, $0x3800  }
0x211: {  	[tilespmem:s11], [sflag:$0x2] =	stream.indirect_vreg.gather [hbm4b:s1+s3], $0x80, v3, vm0, $0xb8;
	[tilespmem:$0x1A000] =	vst v63  }
.Ltmp0:
0x212: {  	_ = 	snop;
	(pc) =	sbr.rel @p0 .LBB2_2-.Ltmp0, $4  }
0x213: {  	_ = 	snop  }
0x214: {  	[tilespmem:s12], [sflag:$0x2] =	stream.indirect_vreg.gather [hbm4b:s6+s3], $0x80, v3, vm0, $0xb8;
	[tilespmem:$0x1A000] =	vst v63  }
0x215: {  	s8 =	sadd.s32 $0x400, s8;
	s4 =	sadd.s32 $0x2A00, s4  }
0x216: {  	[tilespmem:s15], [sflag:$0x2] =	stream.indirect_vreg.gather [hbm4b:s7+s3], $0x80, v3, vm0, $0xb8;
	[tilespmem:$0x1A000] =	vst v63  }
0x217: {  	_ =	swait.ge [sflag:s31], $0x9000  }
0x218: {  	[sflag:s31] =	ssyncset.done $0x0  }
0x219: {  	[sflag:s31] =	ssyncadd.s32 $0xFFFF7000  }
0x21a: {  	_ =	swait.ge [sflag:s31], $0x1800  }
0x21b: {  	[sflag:s31] =	ssyncset.done $0x0  }
0x21c: {  	[sflag:s31] =	ssyncadd.s32 $0xFFFFE800  }
0x21d: {  	v3 =	vld [tilespmem:$0x17000]  }
0x21e: {  	v4 =	vld [tilespmem:$0x17010]  }
0x21f: {  	v5 =	vld [tilespmem:$0x17020]  }
0x220: {  	v6 =	vld [tilespmem:$0x17030]  }
0x221: {  	v7 =	vld [tilespmem:$0x17040]  }
0x222: {  	[tilespmem:$0xB000] =	vst v3;
	v3 =	vld [tilespmem:$0x17050]  }
0x223: {  	v26 =	vld [tilespmem:$0x17060];
	[tilespmem:$0xB010] =	vst v4  }
0x224: {  	v27 =	vld [tilespmem:$0x17070];
	[tilespmem:$0xB020] =	vst v5  }
0x225: {  	v28 =	vld [tilespmem:$0x17400];
	[tilespmem:$0xB030] =	vst v6  }
0x226: {  	v29 =	vld [tilespmem:$0x17410];
	[tilespmem:$0xB040] =	vst v7  }
0x227: {  	[tilespmem:$0xB050] =	vst v3;
	v3 =	vld [tilespmem:$0x17420]  }
0x228: {  	v30 =	vld [tilespmem:$0x17430];
	[tilespmem:$0xB060] =	vst v26  }
0x229: {  	v31 =	vld [tilespmem:$0x17440];
	[tilespmem:$0xB070] =	vst v27  }
0x22a: {  	v32 =	vld [tilespmem:$0x17450];
	[tilespmem:$0xB400] =	vst v28  }
0x22b: {  	v33 =	vld [tilespmem:$0x17460];
	[tilespmem:$0xB410] =	vst v29  }
0x22c: {  	[tilespmem:$0xB420] =	vst v3;
	v3 =	vld [tilespmem:$0x17470]  }
0x22d: {  	v34 =	vld [tilespmem:$0x17800];
	[tilespmem:$0xB430] =	vst v30  }
0x22e: {  	v35 =	vld [tilespmem:$0x17810];
	[tilespmem:$0xB440] =	vst v31  }
0x22f: {  	v36 =	vld [tilespmem:$0x17820];
	[tilespmem:$0xB450] =	vst v32  }
0x230: {  	v37 =	vld [tilespmem:$0x17830];
	[tilespmem:$0xB460] =	vst v33  }
0x231: {  	[tilespmem:$0xB470] =	vst v3;
	v3 =	vld [tilespmem:$0x17840]  }
0x232: {  	v38 =	vld [tilespmem:$0x17850];
	[tilespmem:$0xB800] =	vst v34  }
0x233: {  	v39 =	vld [tilespmem:$0x17860];
	[tilespmem:$0xB810] =	vst v35  }
0x234: {  	v40 =	vld [tilespmem:$0x17870];
	[tilespmem:$0xB820] =	vst v36  }
0x235: {  	v41 =	vld [tilespmem:$0x17C00];
	[tilespmem:$0xB830] =	vst v37  }
0x236: {  	[tilespmem:$0xB840] =	vst v3;
	v3 =	vld [tilespmem:$0x17C10]  }
0x237: {  	v42 =	vld [tilespmem:$0x17C20];
	[tilespmem:$0xB850] =	vst v38  }
0x238: {  	v43 =	vld [tilespmem:$0x17C30];
	[tilespmem:$0xB860] =	vst v39  }
0x239: {  	v44 =	vld [tilespmem:$0x17C40];
	[tilespmem:$0xB870] =	vst v40  }
0x23a: {  	v45 =	vld [tilespmem:$0x17C50];
	[tilespmem:$0xBC00] =	vst v41  }
0x23b: {  	[tilespmem:$0xBC10] =	vst v3;
	v3 =	vld [tilespmem:$0x17C60]  }
0x23c: {  	v46 =	vld [tilespmem:$0x17C70];
	[tilespmem:$0xBC20] =	vst v42  }
0x23d: {  	v47 =	vld [tilespmem:$0x18000];
	[tilespmem:$0xBC30] =	vst v43  }
0x23e: {  	v48 =	vld [tilespmem:$0x18010];
	[tilespmem:$0xBC40] =	vst v44  }
0x23f: {  	v49 =	vld [tilespmem:$0x18020];
	[tilespmem:$0xBC50] =	vst v45  }
0x240: {  	[tilespmem:$0xBC60] =	vst v3;
	v3 =	vld [tilespmem:$0x18030]  }
0x241: {  	v50 =	vld [tilespmem:$0x18040];
	[tilespmem:$0xBC70] =	vst v46  }
0x242: {  	v51 =	vld [tilespmem:$0x18050];
	[tilespmem:$0xC000] =	vst v47  }
0x243: {  	v52 =	vld [tilespmem:$0x18060];
	[tilespmem:$0xC010] =	vst v48  }
0x244: {  	v53 =	vld [tilespmem:$0x18070];
	[tilespmem:$0xC020] =	vst v49  }
0x245: {  	[tilespmem:$0xC030] =	vst v3;
	v3 =	vld [tilespmem:$0x18400]  }
0x246: {  	v54 =	vld [tilespmem:$0x18410];
	[tilespmem:$0xC040] =	vst v50  }
0x247: {  	v55 =	vld [tilespmem:$0x18420];
	[tilespmem:$0xC050] =	vst v51  }
0x248: {  	v56 =	vld [tilespmem:$0x18430];
	[tilespmem:$0xC060] =	vst v52  }
0x249: {  	v57 =	vld [tilespmem:$0x18440];
	[tilespmem:$0xC070] =	vst v53  }
0x24a: {  	[tilespmem:$0xC400] =	vst v3;
	v3 =	vld [tilespmem:$0x18450]  }
0x24b: {  	v58 =	vld [tilespmem:$0x18460];
	[tilespmem:$0xC410] =	vst v54  }
0x24c: {  	v59 =	vld [tilespmem:$0x18470];
	[tilespmem:$0xC420] =	vst v55  }
0x24d: {  	v60 =	vld [tilespmem:$0x17080];
	[tilespmem:$0xC430] =	vst v56  }
0x24e: {  	v61 =	vld [tilespmem:$0x17090];
	[tilespmem:$0xC440] =	vst v57  }
0x24f: {  	[tilespmem:$0xC450] =	vst v3;
	v3 =	vld [tilespmem:$0x170A0]  }
0x250: {  	v62 =	vld [tilespmem:$0x170B0];
	[tilespmem:$0xC460] =	vst v58  }
0x251: {  	v63 =	vld [tilespmem:$0x170C0];
	[tilespmem:$0xC470] =	vst v59  }
0x252: {  	v9 =	vld [tilespmem:$0x170D0];
	[tilespmem:$0xB080] =	vst v60  }
0x253: {  	v10 =	vld [tilespmem:$0x170E0];
	[tilespmem:$0xB090] =	vst v61  }
0x254: {  	[tilespmem:$0xB0A0] =	vst v3;
	v3 =	vld [tilespmem:$0x170F0]  }
0x255: {  	v11 =	vld [tilespmem:$0x17480];
	[tilespmem:$0xB0B0] =	vst v62  }
0x256: {  	v12 =	vld [tilespmem:$0x17490];
	[tilespmem:$0xB0C0] =	vst v63  }
0x257: {  	v13 =	vld [tilespmem:$0x174A0];
	[tilespmem:$0xB0D0] =	vst v9  }
0x258: {  	v14 =	vld [tilespmem:$0x174B0];
	[tilespmem:$0xB0E0] =	vst v10  }
0x259: {  	[tilespmem:$0xB0F0] =	vst v3;
	v3 =	vld [tilespmem:$0x174C0]  }
0x25a: {  	v15 =	vld [tilespmem:$0x174D0];
	[tilespmem:$0xB480] =	vst v11  }
0x25b: {  	v16 =	vld [tilespmem:$0x174E0];
	[tilespmem:$0xB490] =	vst v12  }
0x25c: {  	v17 =	vld [tilespmem:$0x174F0];
	[tilespmem:$0xB4A0] =	vst v13  }
0x25d: {  	v18 =	vld [tilespmem:$0x17880];
	[tilespmem:$0xB4B0] =	vst v14  }
0x25e: {  	[tilespmem:$0xB4C0] =	vst v3;
	v3 =	vld [tilespmem:$0x17890]  }
0x25f: {  	v19 =	vld [tilespmem:$0x178A0];
	[tilespmem:$0xB4D0] =	vst v15  }
0x260: {  	v20 =	vld [tilespmem:$0x178B0];
	[tilespmem:$0xB4E0] =	vst v16  }
0x261: {  	v21 =	vld [tilespmem:$0x178C0];
	[tilespmem:$0xB4F0] =	vst v17  }
0x262: {  	v22 =	vld [tilespmem:$0x178D0];
	[tilespmem:$0xB880] =	vst v18  }
0x263: {  	[tilespmem:$0xB890] =	vst v3;
	v3 =	vld [tilespmem:$0x178E0]  }
0x264: {  	v23 =	vld [tilespmem:$0x178F0];
	[tilespmem:$0xB8A0] =	vst v19  }
0x265: {  	v24 =	vld [tilespmem:$0x17C80];
	[tilespmem:$0xB8B0] =	vst v20  }
0x266: {  	v25 =	vld [tilespmem:$0x17C90];
	[tilespmem:$0xB8C0] =	vst v21  }
0x267: {  	[tilespmem:$0xB8D0] =	vst v22;
	v26 =	vld [tilespmem:$0x17CA0]  }
0x268: {  	[tilespmem:$0xB8E0] =	vst v3;
	v3 =	vld [tilespmem:$0x17CB0]  }
0x269: {  	[tilespmem:$0xB8F0] =	vst v23;
	v27 =	vld [tilespmem:$0x17CC0]  }
0x26a: {  	[tilespmem:$0xBC80] =	vst v24;
	v28 =	vld [tilespmem:$0x17CD0]  }
0x26b: {  	[tilespmem:$0xBC90] =	vst v25;
	v29 =	vld [tilespmem:$0x17CE0]  }
0x26c: {  	v30 =	vld [tilespmem:$0x17CF0];
	[tilespmem:$0xBCA0] =	vst v26  }
0x26d: {  	[tilespmem:$0xBCB0] =	vst v3;
	v3 =	vld [tilespmem:$0x18080]  }
0x26e: {  	v31 =	vld [tilespmem:$0x18090];
	[tilespmem:$0xBCC0] =	vst v27  }
0x26f: {  	v32 =	vld [tilespmem:$0x180A0];
	[tilespmem:$0xBCD0] =	vst v28  }
0x270: {  	v33 =	vld [tilespmem:$0x180B0];
	[tilespmem:$0xBCE0] =	vst v29  }
0x271: {  	v34 =	vld [tilespmem:$0x180C0];
	[tilespmem:$0xBCF0] =	vst v30  }
0x272: {  	[tilespmem:$0xC080] =	vst v3;
	v3 =	vld [tilespmem:$0x180D0]  }
0x273: {  	v35 =	vld [tilespmem:$0x180E0];
	[tilespmem:$0xC090] =	vst v31  }
0x274: {  	v36 =	vld [tilespmem:$0x180F0];
	[tilespmem:$0xC0A0] =	vst v32  }
0x275: {  	v37 =	vld [tilespmem:$0x18480];
	[tilespmem:$0xC0B0] =	vst v33  }
0x276: {  	v38 =	vld [tilespmem:$0x18490];
	[tilespmem:$0xC0C0] =	vst v34  }
0x277: {  	[tilespmem:$0xC0D0] =	vst v3;
	v3 =	vld [tilespmem:$0x184A0]  }
0x278: {  	v39 =	vld [tilespmem:$0x184B0];
	[tilespmem:$0xC0E0] =	vst v35  }
0x279: {  	v40 =	vld [tilespmem:$0x184C0];
	[tilespmem:$0xC0F0] =	vst v36  }
0x27a: {  	v41 =	vld [tilespmem:$0x184D0];
	[tilespmem:$0xC480] =	vst v37  }
0x27b: {  	v42 =	vld [tilespmem:$0x184E0];
	[tilespmem:$0xC490] =	vst v38  }
0x27c: {  	[tilespmem:$0xC4A0] =	vst v3;
	v3 =	vld [tilespmem:$0x184F0]  }
0x27d: {  	[tilespmem:$0xC4B0] =	vst v39  }
0x27e: {  	[tilespmem:$0xC4C0] =	vst v40  }
0x27f: {  	[tilespmem:$0xC4D0] =	vst v41  }
0x280: {  	[tilespmem:$0xC4E0] =	vst v42  }
0x281: {  	s4 =	rddreg [dreg:$0x6];
	[tilespmem:$0xC4F0] =	vst v3  }
0x282: {  	[hbm4b:s4+s3] =	stream.linear.scatter [tilespmem:s14], [sflag:$0x3], $0xA800, $0x38;
	[tilespmem:$0x1A000] =	vst v63  }
0x283: {  	_ =	swait.ge [sflag:s2], $0x9000  }
0x284: {  	[sflag:s2] =	ssyncset.done $0x0  }
0x285: {  	[sflag:s2] =	ssyncadd.s32 $0xFFFF7000  }
0x286: {  	_ =	swait.ge [sflag:s2], $0x1800  }
0x287: {  	[sflag:s2] =	ssyncset.done $0x0  }
0x288: {  	[sflag:s2] =	ssyncadd.s32 $0xFFFFE800  }
0x289: {  	v3 =	vld [tilespmem:$0x18800]  }
0x28a: {  	v43 =	vld [tilespmem:$0x18810]  }
0x28b: {  	v44 =	vld [tilespmem:$0x18820]  }
0x28c: {  	v45 =	vld [tilespmem:$0x18830]  }
0x28d: {  	v46 =	vld [tilespmem:$0x18840]  }
0x28e: {  	[tilespmem:$0x15800] =	vst v3;
	v3 =	vld [tilespmem:$0x18850]  }
0x28f: {  	v47 =	vld [tilespmem:$0x18860];
	[tilespmem:$0x15810] =	vst v43  }
0x290: {  	v48 =	vld [tilespmem:$0x18870];
	[tilespmem:$0x15820] =	vst v44  }
0x291: {  	v49 =	vld [tilespmem:$0x18C00];
	[tilespmem:$0x15830] =	vst v45  }
0x292: {  	v50 =	vld [tilespmem:$0x18C10];
	[tilespmem:$0x15840] =	vst v46  }
0x293: {  	[tilespmem:$0x15850] =	vst v3;
	v3 =	vld [tilespmem:$0x18C20]  }
0x294: {  	v51 =	vld [tilespmem:$0x18C30];
	[tilespmem:$0x15860] =	vst v47  }
0x295: {  	v52 =	vld [tilespmem:$0x18C40];
	[tilespmem:$0x15870] =	vst v48  }
0x296: {  	v53 =	vld [tilespmem:$0x18C50];
	[tilespmem:$0x15C00] =	vst v49  }
0x297: {  	v54 =	vld [tilespmem:$0x18C60];
	[tilespmem:$0x15C10] =	vst v50  }
0x298: {  	[tilespmem:$0x15C20] =	vst v3;
	v3 =	vld [tilespmem:$0x18C70]  }
0x299: {  	v55 =	vld [tilespmem:$0x19000];
	[tilespmem:$0x15C30] =	vst v51  }
0x29a: {  	v56 =	vld [tilespmem:$0x19010];
	[tilespmem:$0x15C40] =	vst v52  }
0x29b: {  	v57 =	vld [tilespmem:$0x19020];
	[tilespmem:$0x15C50] =	vst v53  }
0x29c: {  	v58 =	vld [tilespmem:$0x19030];
	[tilespmem:$0x15C60] =	vst v54  }
0x29d: {  	[tilespmem:$0x15C70] =	vst v3;
	v3 =	vld [tilespmem:$0x19040]  }
0x29e: {  	v59 =	vld [tilespmem:$0x19050];
	[tilespmem:$0x16000] =	vst v55  }
0x29f: {  	v60 =	vld [tilespmem:$0x19060];
	[tilespmem:$0x16010] =	vst v56  }
0x2a0: {  	v61 =	vld [tilespmem:$0x19070];
	[tilespmem:$0x16020] =	vst v57  }
0x2a1: {  	v62 =	vld [tilespmem:$0x19400];
	[tilespmem:$0x16030] =	vst v58  }
0x2a2: {  	[tilespmem:$0x16040] =	vst v3;
	v3 =	vld [tilespmem:$0x19410]  }
0x2a3: {  	v63 =	vld [tilespmem:$0x19420];
	[tilespmem:$0x16050] =	vst v59  }
0x2a4: {  	v9 =	vld [tilespmem:$0x19430];
	[tilespmem:$0x16060] =	vst v60  }
0x2a5: {  	v10 =	vld [tilespmem:$0x19440];
	[tilespmem:$0x16070] =	vst v61  }
0x2a6: {  	v11 =	vld [tilespmem:$0x19450];
	[tilespmem:$0x16400] =	vst v62  }
0x2a7: {  	[tilespmem:$0x16410] =	vst v3;
	v3 =	vld [tilespmem:$0x19460]  }
0x2a8: {  	v12 =	vld [tilespmem:$0x19470];
	[tilespmem:$0x16420] =	vst v63  }
0x2a9: {  	v13 =	vld [tilespmem:$0x19800];
	[tilespmem:$0x16430] =	vst v9  }
0x2aa: {  	v14 =	vld [tilespmem:$0x19810];
	[tilespmem:$0x16440] =	vst v10  }
0x2ab: {  	v15 =	vld [tilespmem:$0x19820];
	[tilespmem:$0x16450] =	vst v11  }
0x2ac: {  	[tilespmem:$0x16460] =	vst v3;
	v3 =	vld [tilespmem:$0x19830]  }
0x2ad: {  	v16 =	vld [tilespmem:$0x19840];
	[tilespmem:$0x16470] =	vst v12  }
0x2ae: {  	v17 =	vld [tilespmem:$0x19850];
	[tilespmem:$0x16800] =	vst v13  }
0x2af: {  	v18 =	vld [tilespmem:$0x19860];
	[tilespmem:$0x16810] =	vst v14  }
0x2b0: {  	v19 =	vld [tilespmem:$0x19870];
	[tilespmem:$0x16820] =	vst v15  }
0x2b1: {  	[tilespmem:$0x16830] =	vst v3;
	v3 =	vld [tilespmem:$0x19C00]  }
0x2b2: {  	v20 =	vld [tilespmem:$0x19C10];
	[tilespmem:$0x16840] =	vst v16  }
0x2b3: {  	v21 =	vld [tilespmem:$0x19C20];
	[tilespmem:$0x16850] =	vst v17  }
0x2b4: {  	v22 =	vld [tilespmem:$0x19C30];
	[tilespmem:$0x16860] =	vst v18  }
0x2b5: {  	v23 =	vld [tilespmem:$0x19C40];
	[tilespmem:$0x16870] =	vst v19  }
0x2b6: {  	[tilespmem:$0x16C00] =	vst v3;
	v3 =	vld [tilespmem:$0x19C50]  }
0x2b7: {  	v24 =	vld [tilespmem:$0x19C60];
	[tilespmem:$0x16C10] =	vst v20  }
0x2b8: {  	v25 =	vld [tilespmem:$0x19C70];
	[tilespmem:$0x16C20] =	vst v21  }
0x2b9: {  	v26 =	vld [tilespmem:$0x18880];
	[tilespmem:$0x16C30] =	vst v22  }
0x2ba: {  	v27 =	vld [tilespmem:$0x18890];
	[tilespmem:$0x16C40] =	vst v23  }
0x2bb: {  	[tilespmem:$0x16C50] =	vst v3;
	v3 =	vld [tilespmem:$0x188A0]  }
0x2bc: {  	v28 =	vld [tilespmem:$0x188B0];
	[tilespmem:$0x16C60] =	vst v24  }
0x2bd: {  	v29 =	vld [tilespmem:$0x188C0];
	[tilespmem:$0x16C70] =	vst v25  }
0x2be: {  	v30 =	vld [tilespmem:$0x188D0];
	[tilespmem:$0x15880] =	vst v26  }
0x2bf: {  	v31 =	vld [tilespmem:$0x188E0];
	[tilespmem:$0x15890] =	vst v27  }
0x2c0: {  	[tilespmem:$0x158A0] =	vst v3;
	v3 =	vld [tilespmem:$0x188F0]  }
0x2c1: {  	v32 =	vld [tilespmem:$0x18C80];
	[tilespmem:$0x158B0] =	vst v28  }
0x2c2: {  	v33 =	vld [tilespmem:$0x18C90];
	[tilespmem:$0x158C0] =	vst v29  }
0x2c3: {  	v34 =	vld [tilespmem:$0x18CA0];
	[tilespmem:$0x158D0] =	vst v30  }
0x2c4: {  	v35 =	vld [tilespmem:$0x18CB0];
	[tilespmem:$0x158E0] =	vst v31  }
0x2c5: {  	[tilespmem:$0x158F0] =	vst v3;
	v3 =	vld [tilespmem:$0x18CC0]  }
0x2c6: {  	v36 =	vld [tilespmem:$0x18CD0];
	[tilespmem:$0x15C80] =	vst v32  }
0x2c7: {  	v37 =	vld [tilespmem:$0x18CE0];
	[tilespmem:$0x15C90] =	vst v33  }
0x2c8: {  	v38 =	vld [tilespmem:$0x18CF0];
	[tilespmem:$0x15CA0] =	vst v34  }
0x2c9: {  	v39 =	vld [tilespmem:$0x19080];
	[tilespmem:$0x15CB0] =	vst v35  }
0x2ca: {  	[tilespmem:$0x15CC0] =	vst v3;
	v3 =	vld [tilespmem:$0x19090]  }
0x2cb: {  	v40 =	vld [tilespmem:$0x190A0];
	[tilespmem:$0x15CD0] =	vst v36  }
0x2cc: {  	v41 =	vld [tilespmem:$0x190B0];
	[tilespmem:$0x15CE0] =	vst v37  }
0x2cd: {  	v42 =	vld [tilespmem:$0x190C0];
	[tilespmem:$0x15CF0] =	vst v38  }
0x2ce: {  	[tilespmem:$0x16080] =	vst v39;
	v43 =	vld [tilespmem:$0x190D0]  }
0x2cf: {  	[tilespmem:$0x16090] =	vst v3;
	v3 =	vld [tilespmem:$0x190E0]  }
0x2d0: {  	[tilespmem:$0x160A0] =	vst v40;
	v44 =	vld [tilespmem:$0x190F0]  }
0x2d1: {  	[tilespmem:$0x160B0] =	vst v41;
	v45 =	vld [tilespmem:$0x19480]  }
0x2d2: {  	[tilespmem:$0x160C0] =	vst v42;
	v46 =	vld [tilespmem:$0x19490]  }
0x2d3: {  	v47 =	vld [tilespmem:$0x194A0];
	[tilespmem:$0x160D0] =	vst v43  }
0x2d4: {  	[tilespmem:$0x160E0] =	vst v3;
	v3 =	vld [tilespmem:$0x194B0]  }
0x2d5: {  	v48 =	vld [tilespmem:$0x194C0];
	[tilespmem:$0x160F0] =	vst v44  }
0x2d6: {  	v49 =	vld [tilespmem:$0x194D0];
	[tilespmem:$0x16480] =	vst v45  }
0x2d7: {  	v50 =	vld [tilespmem:$0x194E0];
	[tilespmem:$0x16490] =	vst v46  }
0x2d8: {  	v51 =	vld [tilespmem:$0x194F0];
	[tilespmem:$0x164A0] =	vst v47  }
0x2d9: {  	[tilespmem:$0x164B0] =	vst v3;
	v3 =	vld [tilespmem:$0x19880]  }
0x2da: {  	v52 =	vld [tilespmem:$0x19890];
	[tilespmem:$0x164C0] =	vst v48  }
0x2db: {  	v53 =	vld [tilespmem:$0x198A0];
	[tilespmem:$0x164D0] =	vst v49  }
0x2dc: {  	v54 =	vld [tilespmem:$0x198B0];
	[tilespmem:$0x164E0] =	vst v50  }
0x2dd: {  	v55 =	vld [tilespmem:$0x198C0];
	[tilespmem:$0x164F0] =	vst v51  }
0x2de: {  	[tilespmem:$0x16880] =	vst v3;
	v3 =	vld [tilespmem:$0x198D0]  }
0x2df: {  	v56 =	vld [tilespmem:$0x198E0];
	[tilespmem:$0x16890] =	vst v52  }
0x2e0: {  	v57 =	vld [tilespmem:$0x198F0];
	[tilespmem:$0x168A0] =	vst v53  }
0x2e1: {  	v58 =	vld [tilespmem:$0x19C80];
	[tilespmem:$0x168B0] =	vst v54  }
0x2e2: {  	v59 =	vld [tilespmem:$0x19C90];
	[tilespmem:$0x168C0] =	vst v55  }
0x2e3: {  	[tilespmem:$0x168D0] =	vst v3;
	v3 =	vld [tilespmem:$0x19CA0]  }
0x2e4: {  	v60 =	vld [tilespmem:$0x19CB0];
	[tilespmem:$0x168E0] =	vst v56  }
0x2e5: {  	v61 =	vld [tilespmem:$0x19CC0];
	[tilespmem:$0x168F0] =	vst v57  }
0x2e6: {  	v62 =	vld [tilespmem:$0x19CD0];
	[tilespmem:$0x16C80] =	vst v58  }
0x2e7: {  	v63 =	vld [tilespmem:$0x19CE0];
	[tilespmem:$0x16C90] =	vst v59  }
0x2e8: {  	[tilespmem:$0x16CA0] =	vst v3;
	v3 =	vld [tilespmem:$0x19CF0]  }
0x2e9: {  	[tilespmem:$0x16CB0] =	vst v60  }
0x2ea: {  	[tilespmem:$0x16CC0] =	vst v61  }
0x2eb: {  	[tilespmem:$0x16CD0] =	vst v62  }
0x2ec: {  	[tilespmem:$0x16CE0] =	vst v63  }
0x2ed: {  	s9 =	rddreg [dreg:$0x7];
	[tilespmem:$0x16CF0] =	vst v3  }
0x2ee: {  	[hbm4b:s9+s3] =	stream.linear.scatter [tilespmem:s5], [sflag:$0x4], $0xA800, $0x38;
	[tilespmem:$0x1A000] =	vst v63  }
0x2ef: {  	_ =	swait.ge [sflag:s0], $0xA800  }
0x2f0: {  	[sflag:s0] =	ssyncset.done $0x0  }
0x2f1: {  	[sflag:s0] =	ssyncadd.s32 $0xFFFF5800  }
0x2f2: {  	_ =	swait.ge [sflag:s13], $0xA800  }
0x2f3: {  	s8 =	rddreg [dreg:$0xa]  }
0x2f4: {  	s16 =	rddreg [dreg:$0x8];
	s8 =	sadd.s32 $0x1, s8  }
0x2f5: {  	p0 =	sne.s32 s8, s16  }
.Ltmp1:
0x2f6: {  	_ = 	snop;
	(pc) =	sbr.rel @p0 .LBB2_1-.Ltmp1, $3  }
0x2f7: {  	_ =	sdelay $0x1  }
0x2f8: {  	[sflag:s13] =	ssyncset.done $0x0  }
0x2f9: {  	[sflag:s13] =	ssyncadd.s32 $0xFFFF5800  }
0x2fa: {  	_ =	sfence.sel $0x180000  }
0x2fb: {  	[bflag:$0x0] =	sbarrier.arrive $0xFFFF  }
0x2fc: {  	_ =	strace $0x90000047  }
0x2fd: {  	s0 =	stileid.u32;
	[bflag:$0x2] =	sbarrier.arrive $0xFFFF  }
0x2fe: {  	p0 =	sne.s32 s0, $0x0;
	s0 =	rddreg [dreg:$0x3]  }
0x2ff: {  	s0 =	sadd.s32 @!p0 $0x100000, s0  }
0x300: {  	[sflag:s0] =	ssyncadd.tile.s32 @!p0 $0x1;
	_ =	shalt  }
.Lfunc_end2:
_tile_overlayer_lowered:
.L_overlay_start_2:
0x301: {  	(tag) =	ssettag $0x2  }
0x302: {  	s0 =	rddreg [dreg:$0x0];
	s2 =	stileid.u32  }
0x303: {  	s1 =	rddreg [dreg:$0x1];
	p0 =	sne.s32 s2, $0x0  }
0x304: {  	s3 =	rddreg [dreg:$0x2];
	[bflag:$0x3] =	sbarrier.arrive $0xFFFF;
	s2 =	simm.s32 @!p0 $0x1C05  }
0x305: {  	[timem:s3], [sflag:s2] =	dma.local @!p0 [hbm:s0], s1  }
0x306: {  	s0 =	simm.s32 @!p0 $0x5  }
0x307: {  	_ =	swait.ge @!p0 [sflag:s0], s1  }
0x308: {  	s1 =	ssub.s32 @!p0 $0x0, s1;
	[sflag:s0] =	ssyncset.done @!p0 $0x0  }
0x309: {  	[sflag:s0] =	ssyncadd.s32 @!p0 s1  }
0x30a: {  	[bflag:$0x3] =	sbarrier.arrive $0xFFFF  }
0x30b: {  	_ =	shalt  }

</sc_bundles>
